<compile_context>
chip_gen: v7x
topology: tpu7x:2x2x1
jax: 0.10.2.dev20260603
libtpu: 0.0.44.dev20260713+nightly
codegen_flags: <defaults>
</compile_context>

<pallas_src>
import functools

import jax
import jax.numpy as jnp
from jax import lax
from jax.experimental import pallas as pl
from jax.experimental.pallas import tpu as pltpu
from jax.experimental.pallas import tpu_sc as plsc

N = 10000
DIM = 256
E = 160000
HID = DIM * 4
NEG = -1.0e9

ROWS_BLK = 1000

NW = 32
PR = 320
NPAD = NW * PR
CAP = 6848
SPILL = PR
GK = 32


def _gathermax_body(xn_hbm, ccol_hbm, crow_hbm, cnt_hbm, out_hbm,
                    acc, ccol, crow, gbufa, gbufb, cbuf16, sema, semb):
    wid = lax.axis_index("s") * 2 + lax.axis_index("c")
    lo = wid * PR
    neg16 = jnp.full((16,), NEG, jnp.float32)

    pltpu.sync_copy(ccol_hbm.at[pl.ds(wid * CAP, CAP)], ccol)
    pltpu.sync_copy(crow_hbm.at[pl.ds(wid * CAP, CAP)], crow)
    pltpu.sync_copy(cnt_hbm.at[pl.ds(wid * 16, 16)], cbuf16)
    pos = cbuf16[pl.ds(0, 16)][0]

    nch = lax.max((pos + GK - 1) // GK, 1)
    last = nch - 1
    npairs = (nch + 1) // 2

    def issue(c, buf, sem):
        pltpu.async_copy(xn_hbm.at[ccol.at[pl.ds(c * GK, GK)]], buf, sem)

    def drain(buf, sem):
        pltpu.make_async_copy(xn_hbm.at[pl.ds(0, GK)], buf, sem).wait()

    def accum(g, buf):
        def edge(e, _):
            rl = crow[pl.ds(g * GK + e, 16)][0]
            for j in range(DIM // 16):
                sl = pl.ds(j * 16, 16)
                acc[rl, sl] = jnp.maximum(acc[rl, sl], buf[e, sl])
            return 0
        lax.fori_loop(0, GK, edge, 0)

    issue(0, gbufa, sema)

    def init_r(r, _):
        for j in range(DIM // 16):
            acc[r, pl.ds(j * 16, 16)] = neg16
        return 0
    lax.fori_loop(0, PR + 1, init_r, 0)

    def pair(i, _):
        g0 = 2 * i
        g1 = g0 + 1
        issue(lax.min(g1, last), gbufb, semb)
        drain(gbufa, sema)
        accum(g0, gbufa)
        issue(lax.min(g0 + 2, last), gbufa, sema)
        drain(gbufb, semb)
        accum(g1, gbufb)
        return 0
    lax.fori_loop(0, npairs, pair, 0)
    drain(gbufa, sema)

    pltpu.sync_copy(acc.at[pl.ds(0, PR)], out_hbm.at[pl.ds(lo, PR)])


_gathermax = functools.partial(
    pl.kernel,
    out_type=jax.ShapeDtypeStruct((NPAD, DIM), jnp.float32),
    mesh=plsc.VectorSubcoreMesh(core_axis_name="c", subcore_axis_name="s"),
    scratch_types=[
        pltpu.VMEM((PR + 1, DIM), jnp.float32),
        pltpu.VMEM((CAP,), jnp.int32),
        pltpu.VMEM((CAP,), jnp.int32),
        pltpu.VMEM((GK, DIM), jnp.float32),
        pltpu.VMEM((GK, DIM), jnp.float32),
        pltpu.VMEM((16,), jnp.int32),
        pltpu.SemaphoreType.DMA,
        pltpu.SemaphoreType.DMA,
    ],
)(_gathermax_body)


def _aggregate(xn, row, col):
    B2 = 128
    B1 = E // B2
    bucket = row // PR
    oh = (bucket.reshape(B1, B2)[:, :, None]
          == jnp.arange(NW)[None, None, :]).astype(jnp.float32)
    lt = (jnp.arange(B2)[:, None] > jnp.arange(B2)[None, :]).astype(jnp.float32)
    within = jnp.einsum("ij,bjk->bik", lt, oh,
                        preferred_element_type=jnp.float32)
    bc = oh.sum(axis=1)
    bo = jnp.cumsum(bc, axis=0) - bc
    rank2 = (bo[:, None, :] + within).reshape(E, NW)
    rank = jnp.take_along_axis(rank2, bucket[:, None], axis=1)[:, 0]
    rank = rank.astype(jnp.int32)
    pos = jnp.where(rank < CAP, rank + bucket * CAP, NW * CAP)
    ccol = jnp.zeros((NW * CAP,), jnp.int32).at[pos].set(col, mode="drop")
    crow = jnp.full((NW * CAP,), SPILL, jnp.int32).at[pos].set(
        row - bucket * PR, mode="drop")
    counts = bc.sum(axis=0).astype(jnp.int32)
    cnt16 = jnp.repeat(jnp.minimum(counts, CAP), 16)
    return _gathermax(xn, ccol, crow, cnt16)


def _gelu_exact(x):
    return 0.5 * x * (1.0 + lax.erf(x * 0.7071067811865476))


def _ln(x, g, b, eps=1e-5):
    mu = jnp.mean(x, axis=-1, keepdims=True)
    var = jnp.mean((x - mu) ** 2, axis=-1, keepdims=True)
    return (x - mu) * lax.rsqrt(var + eps) * g + b


def _ln1_body(x_ref, g_ref, b_ref, o_ref):
    o_ref[...] = _ln(x_ref[...], g_ref[...], b_ref[...])


def _ln1(x2d, g1, be1):
    grid = (N // ROWS_BLK,)
    return pl.pallas_call(
        _ln1_body,
        grid=grid,
        in_specs=[
            pl.BlockSpec((ROWS_BLK, DIM), lambda i: (i, 0)),
            pl.BlockSpec((DIM,), lambda i: (0,)),
            pl.BlockSpec((DIM,), lambda i: (0,)),
        ],
        out_specs=pl.BlockSpec((ROWS_BLK, DIM), lambda i: (i, 0)),
        out_shape=jax.ShapeDtypeStruct((N, DIM), jnp.float32),
    )(x2d, g1, be1)


def _tail_body(aggr_ref, xn_ref, x_ref, W1_ref, bW1_ref, g2_ref, be2_ref,
               Wf1_ref, bf1_ref, Wf2_ref, bf2_ref, o_ref):
    aggr = aggr_ref[...]
    a = jnp.where(aggr == NEG, 0.0, aggr) - xn_ref[...]
    h = _gelu_exact(
        jnp.dot(a, W1_ref[...], preferred_element_type=jnp.float32) + bW1_ref[...])
    x1 = h + x_ref[...]
    xn2 = _ln(x1, g2_ref[...], be2_ref[...])
    hh = _gelu_exact(
        jnp.dot(xn2, Wf1_ref[...], preferred_element_type=jnp.float32) + bf1_ref[...])
    ff = jnp.dot(hh, Wf2_ref[...], preferred_element_type=jnp.float32) + bf2_ref[...]
    o_ref[...] = ff + x1


def _tail(aggr, xn, x2d, W1, bW1, g2, be2, Wf1, bf1, Wf2, bf2):
    grid = (N // ROWS_BLK,)
    row_spec = pl.BlockSpec((ROWS_BLK, DIM), lambda i: (i, 0))
    full = lambda shape: pl.BlockSpec(shape, lambda i: (0,) * len(shape))
    return pl.pallas_call(
        _tail_body,
        grid=grid,
        in_specs=[
            row_spec, row_spec, row_spec,
            full((DIM, DIM)), full((DIM,)), full((DIM,)), full((DIM,)),
            full((DIM, HID)), full((HID,)), full((HID, DIM)), full((DIM,)),
        ],
        out_specs=row_spec,
        out_shape=jax.ShapeDtypeStruct((N, DIM), jnp.float32),
    )(aggr, xn, x2d, W1, bW1, g2, be2, Wf1, bf1, Wf2, bf2)


def kernel(x, edge_index, g1, be1, W1, bW1, g2, be2, Wf1, bf1, Wf2, bf2):
    x2d = x.reshape(N, DIM)
    xn = _ln1(x2d, g1, be1)
    aggr = _aggregate(xn, edge_index[0], edge_index[1])[:N]
    out = _tail(aggr, xn, x2d, W1, bW1, g2, be2, Wf1, bf1, Wf2, bf2)
    return out.reshape(1, N, DIM)

# --- scband reference (transcript-rebuilt; emitter-appended) ---
"""Pipeline reference for scband-geo-vi-g-11347303596508 (READ-ONLY COPY).

The authoritative reference and input builder live on the scoring server;
editing this copy changes nothing except your own understanding.
"""

import jax, jax.numpy as jnp
import numpy as np

B, N, DIM, E = 1, 10000, 256, 160000
HID = DIM * 4
NEG = -1.0e9

def _layernorm(x, g, b, eps=1e-5):
    mu = jnp.mean(x, axis=-1, keepdims=True)
    var = jnp.mean((x - mu) ** 2, axis=-1, keepdims=True)
    return (x - mu) / jnp.sqrt(var + eps) * g + b

def setup_inputs(seed: int = 0):
    key = jax.random.key(seed)
    ks = jax.random.split(key, 8)
    x = jax.random.normal(ks[0], (B, N, DIM), dtype=jnp.float32)
    edge_index = jax.random.randint(ks[1], (2, E), 0, N, dtype=jnp.int32)
    s = 0.02
    W1 = jax.random.normal(ks[2], (DIM, DIM), dtype=jnp.float32) * s
    bW1 = jnp.zeros((DIM,), dtype=jnp.float32)
    Wf1 = jax.random.normal(ks[3], (DIM, HID), dtype=jnp.float32) * s
    bf1 = jnp.zeros((HID,), dtype=jnp.float32)
    Wf2 = jax.random.normal(ks[4], (HID, DIM), dtype=jnp.float32) * s
    bf2 = jnp.zeros((DIM,), dtype=jnp.float32)
    g1 = jnp.ones((DIM,), dtype=jnp.float32)
    be1 = jnp.zeros((DIM,), dtype=jnp.float32)
    g2 = jnp.ones((DIM,), dtype=jnp.float32)
    be2 = jnp.zeros((DIM,), dtype=jnp.float32)
    return {"x": x, "edge_index": edge_index, "g1": g1, "be1": be1, "W1": W1, "bW1": bW1, "g2": g2, "be2": be2, "Wf1": Wf1, "bf1": bf1, "Wf2": Wf2, "bf2": bf2}

def reference(x, edge_index, g1, be1, W1, bW1, g2, be2, Wf1, bf1, Wf2, bf2):
    Bx, Nx, C = x.shape
    shortcut = x
    xn = _layernorm(x, g1, be1)
    x_flat = xn.reshape(-1, C)
    row, col = edge_index[0], edge_index[1]
    offsets = (jnp.arange(Bx, dtype=row.dtype) * Nx)
    row_b = (row[None, :] + offsets[:, None]).reshape(-1)
    col_b = (col[None, :] + offsets[:, None]).reshape(-1)
    x_j = x_flat[col_b]
    aggr = jnp.full((Bx * Nx, C), NEG, dtype=x.dtype).at[row_b].max(x_j)
    aggr = jnp.where(aggr == NEG, jnp.zeros_like(aggr), aggr)
    aggr = aggr - x_flat
    h = jax.nn.gelu(aggr @ W1 + bW1, approximate=False).reshape(Bx, Nx, C)
    x1 = h + shortcut
    shortcut2 = x1
    xn2 = _layernorm(x1, g2, be2)
    ff = jax.nn.gelu(xn2 @ Wf1 + bf1, approximate=False) @ Wf2 + bf2
    return ff + shortcut2

if __name__ == "__main__":
    import jax
    _d = setup_inputs()
    print(jax.jit(kernel)(*tuple(_d.values())))

</pallas_src>

<mosaic_0001>
#map = affine_map<(d0, d1) -> (0, 0)>
#map1 = affine_map<(d0, d1) -> (0)>
module attributes {stable_mosaic.version = 14 : i64} {
  func.func @_gathermax_body(%arg0: i32, %arg1: i32, %arg2: memref<10000x256xf32, #tpu.memory_space<hbm>>, %arg3: memref<219136xi32, #tpu.memory_space<hbm>>, %arg4: memref<219136xi32, #tpu.memory_space<hbm>>, %arg5: memref<512xi32, #tpu.memory_space<hbm>>, %arg6: memref<10240x256xf32, #tpu.memory_space<hbm>>, %arg7: memref<321x256xf32, #tpu.memory_space<vmem>>, %arg8: memref<6848xi32, #tpu.memory_space<vmem>>, %arg9: memref<6848xi32, #tpu.memory_space<vmem>>, %arg10: memref<32x256xf32, #tpu.memory_space<vmem>>, %arg11: memref<32x256xf32, #tpu.memory_space<vmem>>, %arg12: memref<16xi32, #tpu.memory_space<vmem>>, %arg13: memref<!tpu.dma_semaphore, #tpu.memory_space<semaphore_mem>>, %arg14: memref<!tpu.dma_semaphore, #tpu.memory_space<semaphore_mem>>) attributes {dimension_semantics = [#tpu.dimension_semantics<core_parallel>, #tpu.dimension_semantics<subcore_parallel>], iteration_bounds = array<i64: 2, 16>, scalar_prefetch = 0 : i64, scratch_operands = 8 : i64, tpu.core_type = #tpu.core_type<sc_vector_subcore>, window_params = [{transform_indices = #map}, {transform_indices = #map1}, {transform_indices = #map1}, {transform_indices = #map1}, {transform_indices = #map}]} {
    %mul3A = arith.constant 2 : i32
    %mul3A_0 = arith.muli %arg1, %mul3A : i32
    %add3A = arith.addi %mul3A_0, %arg0 : i32
    %mul3A_1 = arith.constant 320 : i32
    %mul3A_2 = arith.muli %add3A, %mul3A_1 : i32
    %broadcast_in_dim3A = arith.constant -1.000000e+09 : f32
    %broadcast_in_dim3A_3 = vector.broadcast %broadcast_in_dim3A : f32 to vector<16xf32>
    %mul3A_4 = arith.constant 6848 : i32
    %mul3A_5 = arith.muli %add3A, %mul3A_4 : i32
    "tpu.region"() ({
      %run_scoped3A = tpu.sem_alloc : memref<!tpu.dma_semaphore, #tpu.memory_space<semaphore_mem>>
      %dma_start3A_87 = tpu.memref_slice %arg3[%mul3A_5] : memref<219136xi32, #tpu.memory_space<hbm>> -> memref<6848xi32, #tpu.memory_space<hbm>>
      %dma_start3A_88 = tpu.memref_slice %arg3[%mul3A_5] : memref<219136xi32, #tpu.memory_space<hbm>> -> memref<6848xi32, #tpu.memory_space<hbm>>
      tpu.enqueue_dma source(%dma_start3A_88 : memref<6848xi32, #tpu.memory_space<hbm>>) target(%arg8 : memref<6848xi32, #tpu.memory_space<vmem>>) target_semaphore(%run_scoped3A : memref<!tpu.dma_semaphore, #tpu.memory_space<semaphore_mem>>)
      %dma_wait3A_89 = tpu.memref_slice %arg3[%mul3A_5] : memref<219136xi32, #tpu.memory_space<hbm>> -> memref<6848xi32, #tpu.memory_space<hbm>>
      %dma_wait3A_90 = tpu.memref_slice %arg3[%mul3A_5] : memref<219136xi32, #tpu.memory_space<hbm>> -> memref<6848xi32, #tpu.memory_space<hbm>>
      tpu.wait_dma2 semaphore(%run_scoped3A : memref<!tpu.dma_semaphore, #tpu.memory_space<semaphore_mem>>) src(%dma_wait3A_90 : memref<6848xi32, #tpu.memory_space<hbm>>) dst(%arg8 : memref<6848xi32, #tpu.memory_space<vmem>>)
      tpu.yield
    }) : () -> ()
    %mul3A_6 = arith.constant 6848 : i32
    %mul3A_7 = arith.muli %add3A, %mul3A_6 : i32
    "tpu.region"() ({
      %run_scoped3A = tpu.sem_alloc : memref<!tpu.dma_semaphore, #tpu.memory_space<semaphore_mem>>
      %dma_start3A_87 = tpu.memref_slice %arg4[%mul3A_7] : memref<219136xi32, #tpu.memory_space<hbm>> -> memref<6848xi32, #tpu.memory_space<hbm>>
      %dma_start3A_88 = tpu.memref_slice %arg4[%mul3A_7] : memref<219136xi32, #tpu.memory_space<hbm>> -> memref<6848xi32, #tpu.memory_space<hbm>>
      tpu.enqueue_dma source(%dma_start3A_88 : memref<6848xi32, #tpu.memory_space<hbm>>) target(%arg9 : memref<6848xi32, #tpu.memory_space<vmem>>) target_semaphore(%run_scoped3A : memref<!tpu.dma_semaphore, #tpu.memory_space<semaphore_mem>>)
      %dma_wait3A_89 = tpu.memref_slice %arg4[%mul3A_7] : memref<219136xi32, #tpu.memory_space<hbm>> -> memref<6848xi32, #tpu.memory_space<hbm>>
      %dma_wait3A_90 = tpu.memref_slice %arg4[%mul3A_7] : memref<219136xi32, #tpu.memory_space<hbm>> -> memref<6848xi32, #tpu.memory_space<hbm>>
      tpu.wait_dma2 semaphore(%run_scoped3A : memref<!tpu.dma_semaphore, #tpu.memory_space<semaphore_mem>>) src(%dma_wait3A_90 : memref<6848xi32, #tpu.memory_space<hbm>>) dst(%arg9 : memref<6848xi32, #tpu.memory_space<vmem>>)
      tpu.yield
    }) : () -> ()
    %mul3A_8 = arith.constant 16 : i32
    %mul3A_9 = arith.muli %add3A, %mul3A_8 : i32
    "tpu.region"() ({
      %run_scoped3A = tpu.sem_alloc : memref<!tpu.dma_semaphore, #tpu.memory_space<semaphore_mem>>
      %dma_start3A_87 = tpu.memref_slice %arg5[%mul3A_9] : memref<512xi32, #tpu.memory_space<hbm>> -> memref<16xi32, #tpu.memory_space<hbm>>
      %dma_start3A_88 = tpu.memref_slice %arg5[%mul3A_9] : memref<512xi32, #tpu.memory_space<hbm>> -> memref<16xi32, #tpu.memory_space<hbm>>
      tpu.enqueue_dma source(%dma_start3A_88 : memref<16xi32, #tpu.memory_space<hbm>>) target(%arg12 : memref<16xi32, #tpu.memory_space<vmem>>) target_semaphore(%run_scoped3A : memref<!tpu.dma_semaphore, #tpu.memory_space<semaphore_mem>>)
      %dma_wait3A_89 = tpu.memref_slice %arg5[%mul3A_9] : memref<512xi32, #tpu.memory_space<hbm>> -> memref<16xi32, #tpu.memory_space<hbm>>
      %dma_wait3A_90 = tpu.memref_slice %arg5[%mul3A_9] : memref<512xi32, #tpu.memory_space<hbm>> -> memref<16xi32, #tpu.memory_space<hbm>>
      tpu.wait_dma2 semaphore(%run_scoped3A : memref<!tpu.dma_semaphore, #tpu.memory_space<semaphore_mem>>) src(%dma_wait3A_90 : memref<16xi32, #tpu.memory_space<hbm>>) dst(%arg12 : memref<16xi32, #tpu.memory_space<vmem>>)
      tpu.yield
    }) : () -> ()
    %get3A = arith.constant 0 : index
    %get3A_10 = tpu.vector_load %arg12[%get3A] {strides = array<i32>} : memref<16xi32, #tpu.memory_space<vmem>>, vector<16xi32>,
    %get3A_11 = vector.shape_cast %get3A_10 : vector<16xi32> to vector<16xi32>
    %slice3A = vector.extract_strided_slice %get3A_11 {offsets = [0], sizes = [1], strides = [1]} : vector<16xi32> to vector<1xi32>
    %squeeze3A = vector.extract %slice3A[0] : i32 from vector<1xi32>
    %add3A_12 = arith.constant 32 : i32
    %add3A_13 = arith.addi %squeeze3A, %add3A_12 : i32
    %sub3A = arith.constant 1 : i32
    %sub3A_14 = arith.subi %add3A_13, %sub3A : i32
    %jit3A = arith.constant 32 : i32
    %div3A = arith.divsi %sub3A_14, %jit3A : i32
    %sign3A = arith.constant 0 : i32
    %sign3A_15 = arith.cmpi sgt, %sub3A_14, %sign3A : i32
    %sign3A_16 = arith.extui %sign3A_15 : i1 to i32
    %sign3A_17 = arith.constant 0 : i32
    %sign3A_18 = arith.cmpi slt, %sub3A_14, %sign3A_17 : i32
    %sign3A_19 = arith.extui %sign3A_18 : i1 to i32
    %sign3A_20 = arith.subi %sign3A_16, %sign3A_19 : i32
    %sign3A_21 = arith.constant 0 : i32
    %sign3A_22 = arith.cmpi sgt, %jit3A, %sign3A_21 : i32
    %sign3A_23 = arith.extui %sign3A_22 : i1 to i32
    %sign3A_24 = arith.constant 0 : i32
    %sign3A_25 = arith.cmpi slt, %jit3A, %sign3A_24 : i32
    %sign3A_26 = arith.extui %sign3A_25 : i1 to i32
    %sign3A_27 = arith.subi %sign3A_23, %sign3A_26 : i32
    %ne3A = arith.cmpi ne, %sign3A_20, %sign3A_27 : i32
    %rem3A = arith.remsi %sub3A_14, %jit3A : i32
    %ne3A_28 = arith.constant 0 : i32
    %ne3A_29 = arith.cmpi ne, %rem3A, %ne3A_28 : i32
    %and3A = arith.andi %ne3A, %ne3A_29 : i1
    %sub3A_30 = arith.constant 1 : i32
    %sub3A_31 = arith.subi %div3A, %sub3A_30 : i32
    %select_n3A = arith.select %and3A, %sub3A_31, %div3A : i32
    %max3A = arith.constant 1 : i32
    %max3A_32 = arith.maxsi %select_n3A, %max3A : i32
    %sub3A_33 = arith.constant 1 : i32
    %sub3A_34 = arith.subi %max3A_32, %sub3A_33 : i32
    %add3A_35 = arith.constant 1 : i32
    %add3A_36 = arith.addi %max3A_32, %add3A_35 : i32
    %jit3A_37 = arith.constant 2 : i32
    %div3A_38 = arith.divsi %add3A_36, %jit3A_37 : i32
    %sign3A_39 = arith.constant 0 : i32
    %sign3A_40 = arith.cmpi sgt, %add3A_36, %sign3A_39 : i32
    %sign3A_41 = arith.extui %sign3A_40 : i1 to i32
    %sign3A_42 = arith.constant 0 : i32
    %sign3A_43 = arith.cmpi slt, %add3A_36, %sign3A_42 : i32
    %sign3A_44 = arith.extui %sign3A_43 : i1 to i32
    %sign3A_45 = arith.subi %sign3A_41, %sign3A_44 : i32
    %sign3A_46 = arith.constant 0 : i32
    %sign3A_47 = arith.cmpi sgt, %jit3A_37, %sign3A_46 : i32
    %sign3A_48 = arith.extui %sign3A_47 : i1 to i32
    %sign3A_49 = arith.constant 0 : i32
    %sign3A_50 = arith.cmpi slt, %jit3A_37, %sign3A_49 : i32
    %sign3A_51 = arith.extui %sign3A_50 : i1 to i32
    %sign3A_52 = arith.subi %sign3A_48, %sign3A_51 : i32
    %ne3A_53 = arith.cmpi ne, %sign3A_45, %sign3A_52 : i32
    %rem3A_54 = arith.remsi %add3A_36, %jit3A_37 : i32
    %ne3A_55 = arith.constant 0 : i32
    %ne3A_56 = arith.cmpi ne, %rem3A_54, %ne3A_55 : i32
    %and3A_57 = arith.andi %ne3A_53, %ne3A_56 : i1
    %sub3A_58 = arith.constant 1 : i32
    %sub3A_59 = arith.subi %div3A_38, %sub3A_58 : i32
    %select_n3A_60 = arith.select %and3A_57, %sub3A_59, %div3A_38 : i32
    %dma_start3A = arith.constant 0 : i32
    %dma_start3A_61 = tpu.memref_slice %arg8[%dma_start3A] : memref<6848xi32, #tpu.memory_space<vmem>> -> memref<32xi32, #tpu.memory_space<vmem>>
    %dma_start3A_62 = arith.constant 0 : i32
    %dma_start3A_63 = arith.constant 0 : i32
    %dma_start3A_64 = tpu.memref_slice %arg2[%dma_start3A_62, %dma_start3A_63] : memref<10000x256xf32, #tpu.memory_space<hbm>> -> memref<10000x256xf32, #tpu.memory_space<hbm>>
    tpu.enqueue_indirect_dma source(%dma_start3A_64 : memref<10000x256xf32, #tpu.memory_space<hbm>>) target(%arg10 : memref<32x256xf32, #tpu.memory_space<vmem>>) offsets(%dma_start3A_61 : memref<32xi32, #tpu.memory_space<vmem>>) semaphore(%arg13 : memref<!tpu.dma_semaphore, #tpu.memory_space<semaphore_mem>>)
    %scan3A = arith.constant 0 : i32
    %scan3A_65 = arith.constant 0 : i32
    %scan3A_66 = arith.constant 321 : i32
    %scan3A_67 = arith.addi %scan3A_65, %scan3A_66 : i32
    %scan3A_68 = arith.constant 1 : i32
    %scan3A_69 = scf.for %scan3A_87 = %scan3A_65 to %scan3A_67 step %scan3A_68 iter_args(%scan3A_88 = %scan3A) -> (i32)  : i32 {
      %swap3A = arith.index_cast %scan3A_87 : i32 to index
      %swap3A_89 = arith.constant 0 : index
      %swap3A_90 = tpu.vector_load %arg7[%swap3A, %swap3A_89] {strides = array<i32>} : memref<321x256xf32, #tpu.memory_space<vmem>>, vector<1x16xf32>,
      %swap3A_91 = vector.shape_cast %swap3A_90 : vector<1x16xf32> to vector<16xf32>
      %swap3A_92 = vector.shape_cast %broadcast_in_dim3A_3 : vector<16xf32> to vector<1x16xf32>
      tpu.vector_store %arg7[%swap3A, %swap3A_89], %swap3A_92 {strides = array<i32>} : memref<321x256xf32, #tpu.memory_space<vmem>>, vector<1x16xf32>,
      %swap3A_93 = arith.index_cast %scan3A_87 : i32 to index
      %swap3A_94 = arith.constant 16 : index
      %swap3A_95 = tpu.vector_load %arg7[%swap3A_93, %swap3A_94] {strides = array<i32>} : memref<321x256xf32, #tpu.memory_space<vmem>>, vector<1x16xf32>,
      %swap3A_96 = vector.shape_cast %swap3A_95 : vector<1x16xf32> to vector<16xf32>
      %swap3A_97 = vector.shape_cast %broadcast_in_dim3A_3 : vector<16xf32> to vector<1x16xf32>
      tpu.vector_store %arg7[%swap3A_93, %swap3A_94], %swap3A_97 {strides = array<i32>} : memref<321x256xf32, #tpu.memory_space<vmem>>, vector<1x16xf32>,
      %swap3A_98 = arith.index_cast %scan3A_87 : i32 to index
      %swap3A_99 = arith.constant 32 : index
      %swap3A_100 = tpu.vector_load %arg7[%swap3A_98, %swap3A_99] {strides = array<i32>} : memref<321x256xf32, #tpu.memory_space<vmem>>, vector<1x16xf32>,
      %swap3A_101 = vector.shape_cast %swap3A_100 : vector<1x16xf32> to vector<16xf32>
      %swap3A_102 = vector.shape_cast %broadcast_in_dim3A_3 : vector<16xf32> to vector<1x16xf32>
      tpu.vector_store %arg7[%swap3A_98, %swap3A_99], %swap3A_102 {strides = array<i32>} : memref<321x256xf32, #tpu.memory_space<vmem>>, vector<1x16xf32>,
      %swap3A_103 = arith.index_cast %scan3A_87 : i32 to index
      %swap3A_104 = arith.constant 48 : index
      %swap3A_105 = tpu.vector_load %arg7[%swap3A_103, %swap3A_104] {strides = array<i32>} : memref<321x256xf32, #tpu.memory_space<vmem>>, vector<1x16xf32>,
      %swap3A_106 = vector.shape_cast %swap3A_105 : vector<1x16xf32> to vector<16xf32>
      %swap3A_107 = vector.shape_cast %broadcast_in_dim3A_3 : vector<16xf32> to vector<1x16xf32>
      tpu.vector_store %arg7[%swap3A_103, %swap3A_104], %swap3A_107 {strides = array<i32>} : memref<321x256xf32, #tpu.memory_space<vmem>>, vector<1x16xf32>,
      %swap3A_108 = arith.index_cast %scan3A_87 : i32 to index
      %swap3A_109 = arith.constant 64 : index
      %swap3A_110 = tpu.vector_load %arg7[%swap3A_108, %swap3A_109] {strides = array<i32>} : memref<321x256xf32, #tpu.memory_space<vmem>>, vector<1x16xf32>,
      %swap3A_111 = vector.shape_cast %swap3A_110 : vector<1x16xf32> to vector<16xf32>
      %swap3A_112 = vector.shape_cast %broadcast_in_dim3A_3 : vector<16xf32> to vector<1x16xf32>
      tpu.vector_store %arg7[%swap3A_108, %swap3A_109], %swap3A_112 {strides = array<i32>} : memref<321x256xf32, #tpu.memory_space<vmem>>, vector<1x16xf32>,
      %swap3A_113 = arith.index_cast %scan3A_87 : i32 to index
      %swap3A_114 = arith.constant 80 : index
      %swap3A_115 = tpu.vector_load %arg7[%swap3A_113, %swap3A_114] {strides = array<i32>} : memref<321x256xf32, #tpu.memory_space<vmem>>, vector<1x16xf32>,
      %swap3A_116 = vector.shape_cast %swap3A_115 : vector<1x16xf32> to vector<16xf32>
      %swap3A_117 = vector.shape_cast %broadcast_in_dim3A_3 : vector<16xf32> to vector<1x16xf32>
      tpu.vector_store %arg7[%swap3A_113, %swap3A_114], %swap3A_117 {strides = array<i32>} : memref<321x256xf32, #tpu.memory_space<vmem>>, vector<1x16xf32>,
      %swap3A_118 = arith.index_cast %scan3A_87 : i32 to index
      %swap3A_119 = arith.constant 96 : index
      %swap3A_120 = tpu.vector_load %arg7[%swap3A_118, %swap3A_119] {strides = array<i32>} : memref<321x256xf32, #tpu.memory_space<vmem>>, vector<1x16xf32>,
      %swap3A_121 = vector.shape_cast %swap3A_120 : vector<1x16xf32> to vector<16xf32>
      %swap3A_122 = vector.shape_cast %broadcast_in_dim3A_3 : vector<16xf32> to vector<1x16xf32>
      tpu.vector_store %arg7[%swap3A_118, %swap3A_119], %swap3A_122 {strides = array<i32>} : memref<321x256xf32, #tpu.memory_space<vmem>>, vector<1x16xf32>,
      %swap3A_123 = arith.index_cast %scan3A_87 : i32 to index
      %swap3A_124 = arith.constant 112 : index
      %swap3A_125 = tpu.vector_load %arg7[%swap3A_123, %swap3A_124] {strides = array<i32>} : memref<321x256xf32, #tpu.memory_space<vmem>>, vector<1x16xf32>,
      %swap3A_126 = vector.shape_cast %swap3A_125 : vector<1x16xf32> to vector<16xf32>
      %swap3A_127 = vector.shape_cast %broadcast_in_dim3A_3 : vector<16xf32> to vector<1x16xf32>
      tpu.vector_store %arg7[%swap3A_123, %swap3A_124], %swap3A_127 {strides = array<i32>} : memref<321x256xf32, #tpu.memory_space<vmem>>, vector<1x16xf32>,
      %swap3A_128 = arith.index_cast %scan3A_87 : i32 to index
      %swap3A_129 = arith.constant 128 : index
      %swap3A_130 = tpu.vector_load %arg7[%swap3A_128, %swap3A_129] {strides = array<i32>} : memref<321x256xf32, #tpu.memory_space<vmem>>, vector<1x16xf32>,
      %swap3A_131 = vector.shape_cast %swap3A_130 : vector<1x16xf32> to vector<16xf32>
      %swap3A_132 = vector.shape_cast %broadcast_in_dim3A_3 : vector<16xf32> to vector<1x16xf32>
      tpu.vector_store %arg7[%swap3A_128, %swap3A_129], %swap3A_132 {strides = array<i32>} : memref<321x256xf32, #tpu.memory_space<vmem>>, vector<1x16xf32>,
      %swap3A_133 = arith.index_cast %scan3A_87 : i32 to index
      %swap3A_134 = arith.constant 144 : index
      %swap3A_135 = tpu.vector_load %arg7[%swap3A_133, %swap3A_134] {strides = array<i32>} : memref<321x256xf32, #tpu.memory_space<vmem>>, vector<1x16xf32>,
      %swap3A_136 = vector.shape_cast %swap3A_135 : vector<1x16xf32> to vector<16xf32>
      %swap3A_137 = vector.shape_cast %broadcast_in_dim3A_3 : vector<16xf32> to vector<1x16xf32>
      tpu.vector_store %arg7[%swap3A_133, %swap3A_134], %swap3A_137 {strides = array<i32>} : memref<321x256xf32, #tpu.memory_space<vmem>>, vector<1x16xf32>,
      %swap3A_138 = arith.index_cast %scan3A_87 : i32 to index
      %swap3A_139 = arith.constant 160 : index
      %swap3A_140 = tpu.vector_load %arg7[%swap3A_138, %swap3A_139] {strides = array<i32>} : memref<321x256xf32, #tpu.memory_space<vmem>>, vector<1x16xf32>,
      %swap3A_141 = vector.shape_cast %swap3A_140 : vector<1x16xf32> to vector<16xf32>
      %swap3A_142 = vector.shape_cast %broadcast_in_dim3A_3 : vector<16xf32> to vector<1x16xf32>
      tpu.vector_store %arg7[%swap3A_138, %swap3A_139], %swap3A_142 {strides = array<i32>} : memref<321x256xf32, #tpu.memory_space<vmem>>, vector<1x16xf32>,
      %swap3A_143 = arith.index_cast %scan3A_87 : i32 to index
      %swap3A_144 = arith.constant 176 : index
      %swap3A_145 = tpu.vector_load %arg7[%swap3A_143, %swap3A_144] {strides = array<i32>} : memref<321x256xf32, #tpu.memory_space<vmem>>, vector<1x16xf32>,
      %swap3A_146 = vector.shape_cast %swap3A_145 : vector<1x16xf32> to vector<16xf32>
      %swap3A_147 = vector.shape_cast %broadcast_in_dim3A_3 : vector<16xf32> to vector<1x16xf32>
      tpu.vector_store %arg7[%swap3A_143, %swap3A_144], %swap3A_147 {strides = array<i32>} : memref<321x256xf32, #tpu.memory_space<vmem>>, vector<1x16xf32>,
      %swap3A_148 = arith.index_cast %scan3A_87 : i32 to index
      %swap3A_149 = arith.constant 192 : index
      %swap3A_150 = tpu.vector_load %arg7[%swap3A_148, %swap3A_149] {strides = array<i32>} : memref<321x256xf32, #tpu.memory_space<vmem>>, vector<1x16xf32>,
      %swap3A_151 = vector.shape_cast %swap3A_150 : vector<1x16xf32> to vector<16xf32>
      %swap3A_152 = vector.shape_cast %broadcast_in_dim3A_3 : vector<16xf32> to vector<1x16xf32>
      tpu.vector_store %arg7[%swap3A_148, %swap3A_149], %swap3A_152 {strides = array<i32>} : memref<321x256xf32, #tpu.memory_space<vmem>>, vector<1x16xf32>,
      %swap3A_153 = arith.index_cast %scan3A_87 : i32 to index
      %swap3A_154 = arith.constant 208 : index
      %swap3A_155 = tpu.vector_load %arg7[%swap3A_153, %swap3A_154] {strides = array<i32>} : memref<321x256xf32, #tpu.memory_space<vmem>>, vector<1x16xf32>,
      %swap3A_156 = vector.shape_cast %swap3A_155 : vector<1x16xf32> to vector<16xf32>
      %swap3A_157 = vector.shape_cast %broadcast_in_dim3A_3 : vector<16xf32> to vector<1x16xf32>
      tpu.vector_store %arg7[%swap3A_153, %swap3A_154], %swap3A_157 {strides = array<i32>} : memref<321x256xf32, #tpu.memory_space<vmem>>, vector<1x16xf32>,
      %swap3A_158 = arith.index_cast %scan3A_87 : i32 to index
      %swap3A_159 = arith.constant 224 : index
      %swap3A_160 = tpu.vector_load %arg7[%swap3A_158, %swap3A_159] {strides = array<i32>} : memref<321x256xf32, #tpu.memory_space<vmem>>, vector<1x16xf32>,
      %swap3A_161 = vector.shape_cast %swap3A_160 : vector<1x16xf32> to vector<16xf32>
      %swap3A_162 = vector.shape_cast %broadcast_in_dim3A_3 : vector<16xf32> to vector<1x16xf32>
      tpu.vector_store %arg7[%swap3A_158, %swap3A_159], %swap3A_162 {strides = array<i32>} : memref<321x256xf32, #tpu.memory_space<vmem>>, vector<1x16xf32>,
      %swap3A_163 = arith.index_cast %scan3A_87 : i32 to index
      %swap3A_164 = arith.constant 240 : index
      %swap3A_165 = tpu.vector_load %arg7[%swap3A_163, %swap3A_164] {strides = array<i32>} : memref<321x256xf32, #tpu.memory_space<vmem>>, vector<1x16xf32>,
      %swap3A_166 = vector.shape_cast %swap3A_165 : vector<1x16xf32> to vector<16xf32>
      %swap3A_167 = vector.shape_cast %broadcast_in_dim3A_3 : vector<16xf32> to vector<1x16xf32>
      tpu.vector_store %arg7[%swap3A_163, %swap3A_164], %swap3A_167 {strides = array<i32>} : memref<321x256xf32, #tpu.memory_space<vmem>>, vector<1x16xf32>,
      %scan3A_168 = arith.constant 0 : i32
      scf.yield %scan3A_168 : i32
    }
    %scan3A_70 = arith.constant 321 : i32
    %while3A = arith.constant 0 : i32
    %while3A_71 = arith.constant 0 : i32
    %while3A_72 = arith.subi %select_n3A_60, %while3A : i32
    %while3A_73 = arith.addi %while3A, %while3A_72 : i32
    %while3A_74 = arith.constant 1 : i32
    %while3A_75 = arith.divsi %while3A_72, %while3A_74 : i32
    %while3A_76 = arith.muli %while3A_75, %while3A_74 : i32
    %while3A_77 = arith.addi %while3A, %while3A_76 : i32
    %while3A_78 = arith.constant 1 : i32
    %while3A_79 = scf.for %while3A_87 = %while3A to %while3A_77 step %while3A_78 iter_args(%while3A_88 = %while3A_71) -> (i32)  : i32 {
      %mul3A_89 = arith.constant 2 : i32
      %mul3A_90 = arith.muli %mul3A_89, %while3A_87 : i32
      %add3A_91 = arith.constant 1 : i32
      %add3A_92 = arith.addi %mul3A_90, %add3A_91 : i32
      %min3A = arith.minsi %add3A_92, %sub3A_34 : i32
      %mul3A_93 = arith.constant 32 : i32
      %mul3A_94 = arith.muli %min3A, %mul3A_93 : i32
      %dma_start3A_95 = tpu.memref_slice %arg8[%mul3A_94] : memref<6848xi32, #tpu.memory_space<vmem>> -> memref<32xi32, #tpu.memory_space<vmem>>
      %dma_start3A_96 = arith.constant 0 : i32
      %dma_start3A_97 = arith.constant 0 : i32
      %dma_start3A_98 = tpu.memref_slice %arg2[%dma_start3A_96, %dma_start3A_97] : memref<10000x256xf32, #tpu.memory_space<hbm>> -> memref<10000x256xf32, #tpu.memory_space<hbm>>
      tpu.enqueue_indirect_dma source(%dma_start3A_98 : memref<10000x256xf32, #tpu.memory_space<hbm>>) target(%arg11 : memref<32x256xf32, #tpu.memory_space<vmem>>) offsets(%dma_start3A_95 : memref<32xi32, #tpu.memory_space<vmem>>) semaphore(%arg14 : memref<!tpu.dma_semaphore, #tpu.memory_space<semaphore_mem>>)
      %dma_wait3A_99 = arith.constant 0 : i32
      %dma_wait3A_100 = arith.constant 0 : i32
      %dma_wait3A_101 = tpu.memref_slice %arg2[%dma_wait3A_99, %dma_wait3A_100] : memref<10000x256xf32, #tpu.memory_space<hbm>> -> memref<32x256xf32, #tpu.memory_space<hbm>>
      %dma_wait3A_102 = arith.constant 0 : i32
      %dma_wait3A_103 = arith.constant 0 : i32
      %dma_wait3A_104 = tpu.memref_slice %arg2[%dma_wait3A_102, %dma_wait3A_103] : memref<10000x256xf32, #tpu.memory_space<hbm>> -> memref<32x256xf32, #tpu.memory_space<hbm>>
      tpu.wait_dma2 semaphore(%arg13 : memref<!tpu.dma_semaphore, #tpu.memory_space<semaphore_mem>>) src(%dma_wait3A_104 : memref<32x256xf32, #tpu.memory_space<hbm>>) dst(%arg10 : memref<32x256xf32, #tpu.memory_space<vmem>>)
      %scan3A_105 = arith.constant 0 : i32
      %scan3A_106 = arith.constant 0 : i32
      %scan3A_107 = arith.constant 32 : i32
      %scan3A_108 = arith.addi %scan3A_106, %scan3A_107 : i32
      %scan3A_109 = arith.constant 1 : i32
      %scan3A_110 = scf.for %scan3A_135 = %scan3A_106 to %scan3A_108 step %scan3A_109 iter_args(%scan3A_136 = %scan3A_105) -> (i32)  : i32 {
        %mul3A_137 = arith.constant 32 : i32
        %mul3A_138 = arith.muli %mul3A_90, %mul3A_137 : i32
        %add3A_139 = arith.addi %mul3A_138, %scan3A_135 : i32
        %get3A_140 = arith.index_cast %add3A_139 : i32 to index
        %get3A_141 = tpu.vector_load %arg9[%get3A_140] {strides = array<i32>} : memref<6848xi32, #tpu.memory_space<vmem>>, vector<16xi32>,
        %get3A_142 = vector.shape_cast %get3A_141 : vector<16xi32> to vector<16xi32>
        %slice3A_143 = vector.extract_strided_slice %get3A_142 {offsets = [0], sizes = [1], strides = [1]} : vector<16xi32> to vector<1xi32>
        %squeeze3A_144 = vector.extract %slice3A_143[0] : i32 from vector<1xi32>
        %get3A_145 = arith.index_cast %squeeze3A_144 : i32 to index
        %get3A_146 = arith.constant 0 : index
        %get3A_147 = tpu.vector_load %arg7[%get3A_145, %get3A_146] {strides = array<i32>} : memref<321x256xf32, #tpu.memory_space<vmem>>, vector<1x16xf32>,
        %get3A_148 = vector.shape_cast %get3A_147 : vector<1x16xf32> to vector<16xf32>
        %get3A_149 = arith.index_cast %scan3A_135 : i32 to index
        %get3A_150 = arith.constant 0 : index
        %get3A_151 = tpu.vector_load %arg10[%get3A_149, %get3A_150] {strides = array<i32>} : memref<32x256xf32, #tpu.memory_space<vmem>>, vector<1x16xf32>,
        %get3A_152 = vector.shape_cast %get3A_151 : vector<1x16xf32> to vector<16xf32>
        %max3A_153 = arith.maximumf %get3A_148, %get3A_152 : vector<16xf32>
        %swap3A = arith.index_cast %squeeze3A_144 : i32 to index
        %swap3A_154 = arith.constant 0 : index
        %swap3A_155 = tpu.vector_load %arg7[%swap3A, %swap3A_154] {strides = array<i32>} : memref<321x256xf32, #tpu.memory_space<vmem>>, vector<1x16xf32>,
        %swap3A_156 = vector.shape_cast %swap3A_155 : vector<1x16xf32> to vector<16xf32>
        %swap3A_157 = vector.shape_cast %max3A_153 : vector<16xf32> to vector<1x16xf32>
        tpu.vector_store %arg7[%swap3A, %swap3A_154], %swap3A_157 {strides = array<i32>} : memref<321x256xf32, #tpu.memory_space<vmem>>, vector<1x16xf32>,
        %get3A_158 = arith.index_cast %squeeze3A_144 : i32 to index
        %get3A_159 = arith.constant 16 : index
        %get3A_160 = tpu.vector_load %arg7[%get3A_158, %get3A_159] {strides = array<i32>} : memref<321x256xf32, #tpu.memory_space<vmem>>, vector<1x16xf32>,
        %get3A_161 = vector.shape_cast %get3A_160 : vector<1x16xf32> to vector<16xf32>
        %get3A_162 = arith.index_cast %scan3A_135 : i32 to index
        %get3A_163 = arith.constant 16 : index
        %get3A_164 = tpu.vector_load %arg10[%get3A_162, %get3A_163] {strides = array<i32>} : memref<32x256xf32, #tpu.memory_space<vmem>>, vector<1x16xf32>,
        %get3A_165 = vector.shape_cast %get3A_164 : vector<1x16xf32> to vector<16xf32>
        %max3A_166 = arith.maximumf %get3A_161, %get3A_165 : vector<16xf32>
        %swap3A_167 = arith.index_cast %squeeze3A_144 : i32 to index
        %swap3A_168 = arith.constant 16 : index
        %swap3A_169 = tpu.vector_load %arg7[%swap3A_167, %swap3A_168] {strides = array<i32>} : memref<321x256xf32, #tpu.memory_space<vmem>>, vector<1x16xf32>,
        %swap3A_170 = vector.shape_cast %swap3A_169 : vector<1x16xf32> to vector<16xf32>
        %swap3A_171 = vector.shape_cast %max3A_166 : vector<16xf32> to vector<1x16xf32>
        tpu.vector_store %arg7[%swap3A_167, %swap3A_168], %swap3A_171 {strides = array<i32>} : memref<321x256xf32, #tpu.memory_space<vmem>>, vector<1x16xf32>,
        %get3A_172 = arith.index_cast %squeeze3A_144 : i32 to index
        %get3A_173 = arith.constant 32 : index
        %get3A_174 = tpu.vector_load %arg7[%get3A_172, %get3A_173] {strides = array<i32>} : memref<321x256xf32, #tpu.memory_space<vmem>>, vector<1x16xf32>,
        %get3A_175 = vector.shape_cast %get3A_174 : vector<1x16xf32> to vector<16xf32>
        %get3A_176 = arith.index_cast %scan3A_135 : i32 to index
        %get3A_177 = arith.constant 32 : index
        %get3A_178 = tpu.vector_load %arg10[%get3A_176, %get3A_177] {strides = array<i32>} : memref<32x256xf32, #tpu.memory_space<vmem>>, vector<1x16xf32>,
        %get3A_179 = vector.shape_cast %get3A_178 : vector<1x16xf32> to vector<16xf32>
        %max3A_180 = arith.maximumf %get3A_175, %get3A_179 : vector<16xf32>
        %swap3A_181 = arith.index_cast %squeeze3A_144 : i32 to index
        %swap3A_182 = arith.constant 32 : index
        %swap3A_183 = tpu.vector_load %arg7[%swap3A_181, %swap3A_182] {strides = array<i32>} : memref<321x256xf32, #tpu.memory_space<vmem>>, vector<1x16xf32>,
        %swap3A_184 = vector.shape_cast %swap3A_183 : vector<1x16xf32> to vector<16xf32>
        %swap3A_185 = vector.shape_cast %max3A_180 : vector<16xf32> to vector<1x16xf32>
        tpu.vector_store %arg7[%swap3A_181, %swap3A_182], %swap3A_185 {strides = array<i32>} : memref<321x256xf32, #tpu.memory_space<vmem>>, vector<1x16xf32>,
        %get3A_186 = arith.index_cast %squeeze3A_144 : i32 to index
        %get3A_187 = arith.constant 48 : index
        %get3A_188 = tpu.vector_load %arg7[%get3A_186, %get3A_187] {strides = array<i32>} : memref<321x256xf32, #tpu.memory_space<vmem>>, vector<1x16xf32>,
        %get3A_189 = vector.shape_cast %get3A_188 : vector<1x16xf32> to vector<16xf32>
        %get3A_190 = arith.index_cast %scan3A_135 : i32 to index
        %get3A_191 = arith.constant 48 : index
        %get3A_192 = tpu.vector_load %arg10[%get3A_190, %get3A_191] {strides = array<i32>} : memref<32x256xf32, #tpu.memory_space<vmem>>, vector<1x16xf32>,
        %get3A_193 = vector.shape_cast %get3A_192 : vector<1x16xf32> to vector<16xf32>
        %max3A_194 = arith.maximumf %get3A_189, %get3A_193 : vector<16xf32>
        %swap3A_195 = arith.index_cast %squeeze3A_144 : i32 to index
        %swap3A_196 = arith.constant 48 : index
        %swap3A_197 = tpu.vector_load %arg7[%swap3A_195, %swap3A_196] {strides = array<i32>} : memref<321x256xf32, #tpu.memory_space<vmem>>, vector<1x16xf32>,
        %swap3A_198 = vector.shape_cast %swap3A_197 : vector<1x16xf32> to vector<16xf32>
        %swap3A_199 = vector.shape_cast %max3A_194 : vector<16xf32> to vector<1x16xf32>
        tpu.vector_store %arg7[%swap3A_195, %swap3A_196], %swap3A_199 {strides = array<i32>} : memref<321x256xf32, #tpu.memory_space<vmem>>, vector<1x16xf32>,
        %get3A_200 = arith.index_cast %squeeze3A_144 : i32 to index
        %get3A_201 = arith.constant 64 : index
        %get3A_202 = tpu.vector_load %arg7[%get3A_200, %get3A_201] {strides = array<i32>} : memref<321x256xf32, #tpu.memory_space<vmem>>, vector<1x16xf32>,
        %get3A_203 = vector.shape_cast %get3A_202 : vector<1x16xf32> to vector<16xf32>
        %get3A_204 = arith.index_cast %scan3A_135 : i32 to index
        %get3A_205 = arith.constant 64 : index
        %get3A_206 = tpu.vector_load %arg10[%get3A_204, %get3A_205] {strides = array<i32>} : memref<32x256xf32, #tpu.memory_space<vmem>>, vector<1x16xf32>,
        %get3A_207 = vector.shape_cast %get3A_206 : vector<1x16xf32> to vector<16xf32>
        %max3A_208 = arith.maximumf %get3A_203, %get3A_207 : vector<16xf32>
        %swap3A_209 = arith.index_cast %squeeze3A_144 : i32 to index
        %swap3A_210 = arith.constant 64 : index
        %swap3A_211 = tpu.vector_load %arg7[%swap3A_209, %swap3A_210] {strides = array<i32>} : memref<321x256xf32, #tpu.memory_space<vmem>>, vector<1x16xf32>,
        %swap3A_212 = vector.shape_cast %swap3A_211 : vector<1x16xf32> to vector<16xf32>
        %swap3A_213 = vector.shape_cast %max3A_208 : vector<16xf32> to vector<1x16xf32>
        tpu.vector_store %arg7[%swap3A_209, %swap3A_210], %swap3A_213 {strides = array<i32>} : memref<321x256xf32, #tpu.memory_space<vmem>>, vector<1x16xf32>,
        %get3A_214 = arith.index_cast %squeeze3A_144 : i32 to index
        %get3A_215 = arith.constant 80 : index
        %get3A_216 = tpu.vector_load %arg7[%get3A_214, %get3A_215] {strides = array<i32>} : memref<321x256xf32, #tpu.memory_space<vmem>>, vector<1x16xf32>,
        %get3A_217 = vector.shape_cast %get3A_216 : vector<1x16xf32> to vector<16xf32>
        %get3A_218 = arith.index_cast %scan3A_135 : i32 to index
        %get3A_219 = arith.constant 80 : index
        %get3A_220 = tpu.vector_load %arg10[%get3A_218, %get3A_219] {strides = array<i32>} : memref<32x256xf32, #tpu.memory_space<vmem>>, vector<1x16xf32>,
        %get3A_221 = vector.shape_cast %get3A_220 : vector<1x16xf32> to vector<16xf32>
        %max3A_222 = arith.maximumf %get3A_217, %get3A_221 : vector<16xf32>
        %swap3A_223 = arith.index_cast %squeeze3A_144 : i32 to index
        %swap3A_224 = arith.constant 80 : index
        %swap3A_225 = tpu.vector_load %arg7[%swap3A_223, %swap3A_224] {strides = array<i32>} : memref<321x256xf32, #tpu.memory_space<vmem>>, vector<1x16xf32>,
        %swap3A_226 = vector.shape_cast %swap3A_225 : vector<1x16xf32> to vector<16xf32>
        %swap3A_227 = vector.shape_cast %max3A_222 : vector<16xf32> to vector<1x16xf32>
        tpu.vector_store %arg7[%swap3A_223, %swap3A_224], %swap3A_227 {strides = array<i32>} : memref<321x256xf32, #tpu.memory_space<vmem>>, vector<1x16xf32>,
        %get3A_228 = arith.index_cast %squeeze3A_144 : i32 to index
        %get3A_229 = arith.constant 96 : index
        %get3A_230 = tpu.vector_load %arg7[%get3A_228, %get3A_229] {strides = array<i32>} : memref<321x256xf32, #tpu.memory_space<vmem>>, vector<1x16xf32>,
        %get3A_231 = vector.shape_cast %get3A_230 : vector<1x16xf32> to vector<16xf32>
        %get3A_232 = arith.index_cast %scan3A_135 : i32 to index
        %get3A_233 = arith.constant 96 : index
        %get3A_234 = tpu.vector_load %arg10[%get3A_232, %get3A_233] {strides = array<i32>} : memref<32x256xf32, #tpu.memory_space<vmem>>, vector<1x16xf32>,
        %get3A_235 = vector.shape_cast %get3A_234 : vector<1x16xf32> to vector<16xf32>
        %max3A_236 = arith.maximumf %get3A_231, %get3A_235 : vector<16xf32>
        %swap3A_237 = arith.index_cast %squeeze3A_144 : i32 to index
        %swap3A_238 = arith.constant 96 : index
        %swap3A_239 = tpu.vector_load %arg7[%swap3A_237, %swap3A_238] {strides = array<i32>} : memref<321x256xf32, #tpu.memory_space<vmem>>, vector<1x16xf32>,
        %swap3A_240 = vector.shape_cast %swap3A_239 : vector<1x16xf32> to vector<16xf32>
        %swap3A_241 = vector.shape_cast %max3A_236 : vector<16xf32> to vector<1x16xf32>
        tpu.vector_store %arg7[%swap3A_237, %swap3A_238], %swap3A_241 {strides = array<i32>} : memref<321x256xf32, #tpu.memory_space<vmem>>, vector<1x16xf32>,
        %get3A_242 = arith.index_cast %squeeze3A_144 : i32 to index
        %get3A_243 = arith.constant 112 : index
        %get3A_244 = tpu.vector_load %arg7[%get3A_242, %get3A_243] {strides = array<i32>} : memref<321x256xf32, #tpu.memory_space<vmem>>, vector<1x16xf32>,
        %get3A_245 = vector.shape_cast %get3A_244 : vector<1x16xf32> to vector<16xf32>
        %get3A_246 = arith.index_cast %scan3A_135 : i32 to index
        %get3A_247 = arith.constant 112 : index
        %get3A_248 = tpu.vector_load %arg10[%get3A_246, %get3A_247] {strides = array<i32>} : memref<32x256xf32, #tpu.memory_space<vmem>>, vector<1x16xf32>,
        %get3A_249 = vector.shape_cast %get3A_248 : vector<1x16xf32> to vector<16xf32>
        %max3A_250 = arith.maximumf %get3A_245, %get3A_249 : vector<16xf32>
        %swap3A_251 = arith.index_cast %squeeze3A_144 : i32 to index
        %swap3A_252 = arith.constant 112 : index
        %swap3A_253 = tpu.vector_load %arg7[%swap3A_251, %swap3A_252] {strides = array<i32>} : memref<321x256xf32, #tpu.memory_space<vmem>>, vector<1x16xf32>,
        %swap3A_254 = vector.shape_cast %swap3A_253 : vector<1x16xf32> to vector<16xf32>
        %swap3A_255 = vector.shape_cast %max3A_250 : vector<16xf32> to vector<1x16xf32>
        tpu.vector_store %arg7[%swap3A_251, %swap3A_252], %swap3A_255 {strides = array<i32>} : memref<321x256xf32, #tpu.memory_space<vmem>>, vector<1x16xf32>,
        %get3A_256 = arith.index_cast %squeeze3A_144 : i32 to index
        %get3A_257 = arith.constant 128 : index
        %get3A_258 = tpu.vector_load %arg7[%get3A_256, %get3A_257] {strides = array<i32>} : memref<321x256xf32, #tpu.memory_space<vmem>>, vector<1x16xf32>,
        %get3A_259 = vector.shape_cast %get3A_258 : vector<1x16xf32> to vector<16xf32>
        %get3A_260 = arith.index_cast %scan3A_135 : i32 to index
        %get3A_261 = arith.constant 128 : index
        %get3A_262 = tpu.vector_load %arg10[%get3A_260, %get3A_261] {strides = array<i32>} : memref<32x256xf32, #tpu.memory_space<vmem>>, vector<1x16xf32>,
        %get3A_263 = vector.shape_cast %get3A_262 : vector<1x16xf32> to vector<16xf32>
        %max3A_264 = arith.maximumf %get3A_259, %get3A_263 : vector<16xf32>
        %swap3A_265 = arith.index_cast %squeeze3A_144 : i32 to index
        %swap3A_266 = arith.constant 128 : index
        %swap3A_267 = tpu.vector_load %arg7[%swap3A_265, %swap3A_266] {strides = array<i32>} : memref<321x256xf32, #tpu.memory_space<vmem>>, vector<1x16xf32>,
        %swap3A_268 = vector.shape_cast %swap3A_267 : vector<1x16xf32> to vector<16xf32>
        %swap3A_269 = vector.shape_cast %max3A_264 : vector<16xf32> to vector<1x16xf32>
        tpu.vector_store %arg7[%swap3A_265, %swap3A_266], %swap3A_269 {strides = array<i32>} : memref<321x256xf32, #tpu.memory_space<vmem>>, vector<1x16xf32>,
        %get3A_270 = arith.index_cast %squeeze3A_144 : i32 to index
        %get3A_271 = arith.constant 144 : index
        %get3A_272 = tpu.vector_load %arg7[%get3A_270, %get3A_271] {strides = array<i32>} : memref<321x256xf32, #tpu.memory_space<vmem>>, vector<1x16xf32>,
        %get3A_273 = vector.shape_cast %get3A_272 : vector<1x16xf32> to vector<16xf32>
        %get3A_274 = arith.index_cast %scan3A_135 : i32 to index
        %get3A_275 = arith.constant 144 : index
        %get3A_276 = tpu.vector_load %arg10[%get3A_274, %get3A_275] {strides = array<i32>} : memref<32x256xf32, #tpu.memory_space<vmem>>, vector<1x16xf32>,
        %get3A_277 = vector.shape_cast %get3A_276 : vector<1x16xf32> to vector<16xf32>
        %max3A_278 = arith.maximumf %get3A_273, %get3A_277 : vector<16xf32>
        %swap3A_279 = arith.index_cast %squeeze3A_144 : i32 to index
        %swap3A_280 = arith.constant 144 : index
        %swap3A_281 = tpu.vector_load %arg7[%swap3A_279, %swap3A_280] {strides = array<i32>} : memref<321x256xf32, #tpu.memory_space<vmem>>, vector<1x16xf32>,
        %swap3A_282 = vector.shape_cast %swap3A_281 : vector<1x16xf32> to vector<16xf32>
        %swap3A_283 = vector.shape_cast %max3A_278 : vector<16xf32> to vector<1x16xf32>
        tpu.vector_store %arg7[%swap3A_279, %swap3A_280], %swap3A_283 {strides = array<i32>} : memref<321x256xf32, #tpu.memory_space<vmem>>, vector<1x16xf32>,
        %get3A_284 = arith.index_cast %squeeze3A_144 : i32 to index
        %get3A_285 = arith.constant 160 : index
        %get3A_286 = tpu.vector_load %arg7[%get3A_284, %get3A_285] {strides = array<i32>} : memref<321x256xf32, #tpu.memory_space<vmem>>, vector<1x16xf32>,
        %get3A_287 = vector.shape_cast %get3A_286 : vector<1x16xf32> to vector<16xf32>
        %get3A_288 = arith.index_cast %scan3A_135 : i32 to index
        %get3A_289 = arith.constant 160 : index
        %get3A_290 = tpu.vector_load %arg10[%get3A_288, %get3A_289] {strides = array<i32>} : memref<32x256xf32, #tpu.memory_space<vmem>>, vector<1x16xf32>,
        %get3A_291 = vector.shape_cast %get3A_290 : vector<1x16xf32> to vector<16xf32>
        %max3A_292 = arith.maximumf %get3A_287, %get3A_291 : vector<16xf32>
        %swap3A_293 = arith.index_cast %squeeze3A_144 : i32 to index
        %swap3A_294 = arith.constant 160 : index
        %swap3A_295 = tpu.vector_load %arg7[%swap3A_293, %swap3A_294] {strides = array<i32>} : memref<321x256xf32, #tpu.memory_space<vmem>>, vector<1x16xf32>,
        %swap3A_296 = vector.shape_cast %swap3A_295 : vector<1x16xf32> to vector<16xf32>
        %swap3A_297 = vector.shape_cast %max3A_292 : vector<16xf32> to vector<1x16xf32>
        tpu.vector_store %arg7[%swap3A_293, %swap3A_294], %swap3A_297 {strides = array<i32>} : memref<321x256xf32, #tpu.memory_space<vmem>>, vector<1x16xf32>,
        %get3A_298 = arith.index_cast %squeeze3A_144 : i32 to index
        %get3A_299 = arith.constant 176 : index
        %get3A_300 = tpu.vector_load %arg7[%get3A_298, %get3A_299] {strides = array<i32>} : memref<321x256xf32, #tpu.memory_space<vmem>>, vector<1x16xf32>,
        %get3A_301 = vector.shape_cast %get3A_300 : vector<1x16xf32> to vector<16xf32>
        %get3A_302 = arith.index_cast %scan3A_135 : i32 to index
        %get3A_303 = arith.constant 176 : index
        %get3A_304 = tpu.vector_load %arg10[%get3A_302, %get3A_303] {strides = array<i32>} : memref<32x256xf32, #tpu.memory_space<vmem>>, vector<1x16xf32>,
        %get3A_305 = vector.shape_cast %get3A_304 : vector<1x16xf32> to vector<16xf32>
        %max3A_306 = arith.maximumf %get3A_301, %get3A_305 : vector<16xf32>
        %swap3A_307 = arith.index_cast %squeeze3A_144 : i32 to index
        %swap3A_308 = arith.constant 176 : index
        %swap3A_309 = tpu.vector_load %arg7[%swap3A_307, %swap3A_308] {strides = array<i32>} : memref<321x256xf32, #tpu.memory_space<vmem>>, vector<1x16xf32>,
        %swap3A_310 = vector.shape_cast %swap3A_309 : vector<1x16xf32> to vector<16xf32>
        %swap3A_311 = vector.shape_cast %max3A_306 : vector<16xf32> to vector<1x16xf32>
        tpu.vector_store %arg7[%swap3A_307, %swap3A_308], %swap3A_311 {strides = array<i32>} : memref<321x256xf32, #tpu.memory_space<vmem>>, vector<1x16xf32>,
        %get3A_312 = arith.index_cast %squeeze3A_144 : i32 to index
        %get3A_313 = arith.constant 192 : index
        %get3A_314 = tpu.vector_load %arg7[%get3A_312, %get3A_313] {strides = array<i32>} : memref<321x256xf32, #tpu.memory_space<vmem>>, vector<1x16xf32>,
        %get3A_315 = vector.shape_cast %get3A_314 : vector<1x16xf32> to vector<16xf32>
        %get3A_316 = arith.index_cast %scan3A_135 : i32 to index
        %get3A_317 = arith.constant 192 : index
        %get3A_318 = tpu.vector_load %arg10[%get3A_316, %get3A_317] {strides = array<i32>} : memref<32x256xf32, #tpu.memory_space<vmem>>, vector<1x16xf32>,
        %get3A_319 = vector.shape_cast %get3A_318 : vector<1x16xf32> to vector<16xf32>
        %max3A_320 = arith.maximumf %get3A_315, %get3A_319 : vector<16xf32>
        %swap3A_321 = arith.index_cast %squeeze3A_144 : i32 to index
        %swap3A_322 = arith.constant 192 : index
        %swap3A_323 = tpu.vector_load %arg7[%swap3A_321, %swap3A_322] {strides = array<i32>} : memref<321x256xf32, #tpu.memory_space<vmem>>, vector<1x16xf32>,
        %swap3A_324 = vector.shape_cast %swap3A_323 : vector<1x16xf32> to vector<16xf32>
        %swap3A_325 = vector.shape_cast %max3A_320 : vector<16xf32> to vector<1x16xf32>
        tpu.vector_store %arg7[%swap3A_321, %swap3A_322], %swap3A_325 {strides = array<i32>} : memref<321x256xf32, #tpu.memory_space<vmem>>, vector<1x16xf32>,
        %get3A_326 = arith.index_cast %squeeze3A_144 : i32 to index
        %get3A_327 = arith.constant 208 : index
        %get3A_328 = tpu.vector_load %arg7[%get3A_326, %get3A_327] {strides = array<i32>} : memref<321x256xf32, #tpu.memory_space<vmem>>, vector<1x16xf32>,
        %get3A_329 = vector.shape_cast %get3A_328 : vector<1x16xf32> to vector<16xf32>
        %get3A_330 = arith.index_cast %scan3A_135 : i32 to index
        %get3A_331 = arith.constant 208 : index
        %get3A_332 = tpu.vector_load %arg10[%get3A_330, %get3A_331] {strides = array<i32>} : memref<32x256xf32, #tpu.memory_space<vmem>>, vector<1x16xf32>,
        %get3A_333 = vector.shape_cast %get3A_332 : vector<1x16xf32> to vector<16xf32>
        %max3A_334 = arith.maximumf %get3A_329, %get3A_333 : vector<16xf32>
        %swap3A_335 = arith.index_cast %squeeze3A_144 : i32 to index
        %swap3A_336 = arith.constant 208 : index
        %swap3A_337 = tpu.vector_load %arg7[%swap3A_335, %swap3A_336] {strides = array<i32>} : memref<321x256xf32, #tpu.memory_space<vmem>>, vector<1x16xf32>,
        %swap3A_338 = vector.shape_cast %swap3A_337 : vector<1x16xf32> to vector<16xf32>
        %swap3A_339 = vector.shape_cast %max3A_334 : vector<16xf32> to vector<1x16xf32>
        tpu.vector_store %arg7[%swap3A_335, %swap3A_336], %swap3A_339 {strides = array<i32>} : memref<321x256xf32, #tpu.memory_space<vmem>>, vector<1x16xf32>,
        %get3A_340 = arith.index_cast %squeeze3A_144 : i32 to index
        %get3A_341 = arith.constant 224 : index
        %get3A_342 = tpu.vector_load %arg7[%get3A_340, %get3A_341] {strides = array<i32>} : memref<321x256xf32, #tpu.memory_space<vmem>>, vector<1x16xf32>,
        %get3A_343 = vector.shape_cast %get3A_342 : vector<1x16xf32> to vector<16xf32>
        %get3A_344 = arith.index_cast %scan3A_135 : i32 to index
        %get3A_345 = arith.constant 224 : index
        %get3A_346 = tpu.vector_load %arg10[%get3A_344, %get3A_345] {strides = array<i32>} : memref<32x256xf32, #tpu.memory_space<vmem>>, vector<1x16xf32>,
        %get3A_347 = vector.shape_cast %get3A_346 : vector<1x16xf32> to vector<16xf32>
        %max3A_348 = arith.maximumf %get3A_343, %get3A_347 : vector<16xf32>
        %swap3A_349 = arith.index_cast %squeeze3A_144 : i32 to index
        %swap3A_350 = arith.constant 224 : index
        %swap3A_351 = tpu.vector_load %arg7[%swap3A_349, %swap3A_350] {strides = array<i32>} : memref<321x256xf32, #tpu.memory_space<vmem>>, vector<1x16xf32>,
        %swap3A_352 = vector.shape_cast %swap3A_351 : vector<1x16xf32> to vector<16xf32>
        %swap3A_353 = vector.shape_cast %max3A_348 : vector<16xf32> to vector<1x16xf32>
        tpu.vector_store %arg7[%swap3A_349, %swap3A_350], %swap3A_353 {strides = array<i32>} : memref<321x256xf32, #tpu.memory_space<vmem>>, vector<1x16xf32>,
        %get3A_354 = arith.index_cast %squeeze3A_144 : i32 to index
        %get3A_355 = arith.constant 240 : index
        %get3A_356 = tpu.vector_load %arg7[%get3A_354, %get3A_355] {strides = array<i32>} : memref<321x256xf32, #tpu.memory_space<vmem>>, vector<1x16xf32>,
        %get3A_357 = vector.shape_cast %get3A_356 : vector<1x16xf32> to vector<16xf32>
        %get3A_358 = arith.index_cast %scan3A_135 : i32 to index
        %get3A_359 = arith.constant 240 : index
        %get3A_360 = tpu.vector_load %arg10[%get3A_358, %get3A_359] {strides = array<i32>} : memref<32x256xf32, #tpu.memory_space<vmem>>, vector<1x16xf32>,
        %get3A_361 = vector.shape_cast %get3A_360 : vector<1x16xf32> to vector<16xf32>
        %max3A_362 = arith.maximumf %get3A_357, %get3A_361 : vector<16xf32>
        %swap3A_363 = arith.index_cast %squeeze3A_144 : i32 to index
        %swap3A_364 = arith.constant 240 : index
        %swap3A_365 = tpu.vector_load %arg7[%swap3A_363, %swap3A_364] {strides = array<i32>} : memref<321x256xf32, #tpu.memory_space<vmem>>, vector<1x16xf32>,
        %swap3A_366 = vector.shape_cast %swap3A_365 : vector<1x16xf32> to vector<16xf32>
        %swap3A_367 = vector.shape_cast %max3A_362 : vector<16xf32> to vector<1x16xf32>
        tpu.vector_store %arg7[%swap3A_363, %swap3A_364], %swap3A_367 {strides = array<i32>} : memref<321x256xf32, #tpu.memory_space<vmem>>, vector<1x16xf32>,
        %scan3A_368 = arith.constant 0 : i32
        scf.yield %scan3A_368 : i32
      }
      %scan3A_111 = arith.constant 32 : i32
      %add3A_112 = arith.constant 2 : i32
      %add3A_113 = arith.addi %mul3A_90, %add3A_112 : i32
      %min3A_114 = arith.minsi %add3A_113, %sub3A_34 : i32
      %mul3A_115 = arith.constant 32 : i32
      %mul3A_116 = arith.muli %min3A_114, %mul3A_115 : i32
      %dma_start3A_117 = tpu.memref_slice %arg8[%mul3A_116] : memref<6848xi32, #tpu.memory_space<vmem>> -> memref<32xi32, #tpu.memory_space<vmem>>
      %dma_start3A_118 = arith.constant 0 : i32
      %dma_start3A_119 = arith.constant 0 : i32
      %dma_start3A_120 = tpu.memref_slice %arg2[%dma_start3A_118, %dma_start3A_119] : memref<10000x256xf32, #tpu.memory_space<hbm>> -> memref<10000x256xf32, #tpu.memory_space<hbm>>
      tpu.enqueue_indirect_dma source(%dma_start3A_120 : memref<10000x256xf32, #tpu.memory_space<hbm>>) target(%arg10 : memref<32x256xf32, #tpu.memory_space<vmem>>) offsets(%dma_start3A_117 : memref<32xi32, #tpu.memory_space<vmem>>) semaphore(%arg13 : memref<!tpu.dma_semaphore, #tpu.memory_space<semaphore_mem>>)
      %dma_wait3A_121 = arith.constant 0 : i32
      %dma_wait3A_122 = arith.constant 0 : i32
      %dma_wait3A_123 = tpu.memref_slice %arg2[%dma_wait3A_121, %dma_wait3A_122] : memref<10000x256xf32, #tpu.memory_space<hbm>> -> memref<32x256xf32, #tpu.memory_space<hbm>>
      %dma_wait3A_124 = arith.constant 0 : i32
      %dma_wait3A_125 = arith.constant 0 : i32
      %dma_wait3A_126 = tpu.memref_slice %arg2[%dma_wait3A_124, %dma_wait3A_125] : memref<10000x256xf32, #tpu.memory_space<hbm>> -> memref<32x256xf32, #tpu.memory_space<hbm>>
      tpu.wait_dma2 semaphore(%arg14 : memref<!tpu.dma_semaphore, #tpu.memory_space<semaphore_mem>>) src(%dma_wait3A_126 : memref<32x256xf32, #tpu.memory_space<hbm>>) dst(%arg11 : memref<32x256xf32, #tpu.memory_space<vmem>>)
      %scan3A_127 = arith.constant 0 : i32
      %scan3A_128 = arith.constant 0 : i32
      %scan3A_129 = arith.constant 32 : i32
      %scan3A_130 = arith.addi %scan3A_128, %scan3A_129 : i32
      %scan3A_131 = arith.constant 1 : i32
      %scan3A_132 = scf.for %scan3A_135 = %scan3A_128 to %scan3A_130 step %scan3A_131 iter_args(%scan3A_136 = %scan3A_127) -> (i32)  : i32 {
        %mul3A_137 = arith.constant 32 : i32
        %mul3A_138 = arith.muli %add3A_92, %mul3A_137 : i32
        %add3A_139 = arith.addi %mul3A_138, %scan3A_135 : i32
        %get3A_140 = arith.index_cast %add3A_139 : i32 to index
        %get3A_141 = tpu.vector_load %arg9[%get3A_140] {strides = array<i32>} : memref<6848xi32, #tpu.memory_space<vmem>>, vector<16xi32>,
        %get3A_142 = vector.shape_cast %get3A_141 : vector<16xi32> to vector<16xi32>
        %slice3A_143 = vector.extract_strided_slice %get3A_142 {offsets = [0], sizes = [1], strides = [1]} : vector<16xi32> to vector<1xi32>
        %squeeze3A_144 = vector.extract %slice3A_143[0] : i32 from vector<1xi32>
        %get3A_145 = arith.index_cast %squeeze3A_144 : i32 to index
        %get3A_146 = arith.constant 0 : index
        %get3A_147 = tpu.vector_load %arg7[%get3A_145, %get3A_146] {strides = array<i32>} : memref<321x256xf32, #tpu.memory_space<vmem>>, vector<1x16xf32>,
        %get3A_148 = vector.shape_cast %get3A_147 : vector<1x16xf32> to vector<16xf32>
        %get3A_149 = arith.index_cast %scan3A_135 : i32 to index
        %get3A_150 = arith.constant 0 : index
        %get3A_151 = tpu.vector_load %arg11[%get3A_149, %get3A_150] {strides = array<i32>} : memref<32x256xf32, #tpu.memory_space<vmem>>, vector<1x16xf32>,
        %get3A_152 = vector.shape_cast %get3A_151 : vector<1x16xf32> to vector<16xf32>
        %max3A_153 = arith.maximumf %get3A_148, %get3A_152 : vector<16xf32>
        %swap3A = arith.index_cast %squeeze3A_144 : i32 to index
        %swap3A_154 = arith.constant 0 : index
        %swap3A_155 = tpu.vector_load %arg7[%swap3A, %swap3A_154] {strides = array<i32>} : memref<321x256xf32, #tpu.memory_space<vmem>>, vector<1x16xf32>,
        %swap3A_156 = vector.shape_cast %swap3A_155 : vector<1x16xf32> to vector<16xf32>
        %swap3A_157 = vector.shape_cast %max3A_153 : vector<16xf32> to vector<1x16xf32>
        tpu.vector_store %arg7[%swap3A, %swap3A_154], %swap3A_157 {strides = array<i32>} : memref<321x256xf32, #tpu.memory_space<vmem>>, vector<1x16xf32>,
        %get3A_158 = arith.index_cast %squeeze3A_144 : i32 to index
        %get3A_159 = arith.constant 16 : index
        %get3A_160 = tpu.vector_load %arg7[%get3A_158, %get3A_159] {strides = array<i32>} : memref<321x256xf32, #tpu.memory_space<vmem>>, vector<1x16xf32>,
        %get3A_161 = vector.shape_cast %get3A_160 : vector<1x16xf32> to vector<16xf32>
        %get3A_162 = arith.index_cast %scan3A_135 : i32 to index
        %get3A_163 = arith.constant 16 : index
        %get3A_164 = tpu.vector_load %arg11[%get3A_162, %get3A_163] {strides = array<i32>} : memref<32x256xf32, #tpu.memory_space<vmem>>, vector<1x16xf32>,
        %get3A_165 = vector.shape_cast %get3A_164 : vector<1x16xf32> to vector<16xf32>
        %max3A_166 = arith.maximumf %get3A_161, %get3A_165 : vector<16xf32>
        %swap3A_167 = arith.index_cast %squeeze3A_144 : i32 to index
        %swap3A_168 = arith.constant 16 : index
        %swap3A_169 = tpu.vector_load %arg7[%swap3A_167, %swap3A_168] {strides = array<i32>} : memref<321x256xf32, #tpu.memory_space<vmem>>, vector<1x16xf32>,
        %swap3A_170 = vector.shape_cast %swap3A_169 : vector<1x16xf32> to vector<16xf32>
        %swap3A_171 = vector.shape_cast %max3A_166 : vector<16xf32> to vector<1x16xf32>
        tpu.vector_store %arg7[%swap3A_167, %swap3A_168], %swap3A_171 {strides = array<i32>} : memref<321x256xf32, #tpu.memory_space<vmem>>, vector<1x16xf32>,
        %get3A_172 = arith.index_cast %squeeze3A_144 : i32 to index
        %get3A_173 = arith.constant 32 : index
        %get3A_174 = tpu.vector_load %arg7[%get3A_172, %get3A_173] {strides = array<i32>} : memref<321x256xf32, #tpu.memory_space<vmem>>, vector<1x16xf32>,
        %get3A_175 = vector.shape_cast %get3A_174 : vector<1x16xf32> to vector<16xf32>
        %get3A_176 = arith.index_cast %scan3A_135 : i32 to index
        %get3A_177 = arith.constant 32 : index
        %get3A_178 = tpu.vector_load %arg11[%get3A_176, %get3A_177] {strides = array<i32>} : memref<32x256xf32, #tpu.memory_space<vmem>>, vector<1x16xf32>,
        %get3A_179 = vector.shape_cast %get3A_178 : vector<1x16xf32> to vector<16xf32>
        %max3A_180 = arith.maximumf %get3A_175, %get3A_179 : vector<16xf32>
        %swap3A_181 = arith.index_cast %squeeze3A_144 : i32 to index
        %swap3A_182 = arith.constant 32 : index
        %swap3A_183 = tpu.vector_load %arg7[%swap3A_181, %swap3A_182] {strides = array<i32>} : memref<321x256xf32, #tpu.memory_space<vmem>>, vector<1x16xf32>,
        %swap3A_184 = vector.shape_cast %swap3A_183 : vector<1x16xf32> to vector<16xf32>
        %swap3A_185 = vector.shape_cast %max3A_180 : vector<16xf32> to vector<1x16xf32>
        tpu.vector_store %arg7[%swap3A_181, %swap3A_182], %swap3A_185 {strides = array<i32>} : memref<321x256xf32, #tpu.memory_space<vmem>>, vector<1x16xf32>,
        %get3A_186 = arith.index_cast %squeeze3A_144 : i32 to index
        %get3A_187 = arith.constant 48 : index
        %get3A_188 = tpu.vector_load %arg7[%get3A_186, %get3A_187] {strides = array<i32>} : memref<321x256xf32, #tpu.memory_space<vmem>>, vector<1x16xf32>,
        %get3A_189 = vector.shape_cast %get3A_188 : vector<1x16xf32> to vector<16xf32>
        %get3A_190 = arith.index_cast %scan3A_135 : i32 to index
        %get3A_191 = arith.constant 48 : index
        %get3A_192 = tpu.vector_load %arg11[%get3A_190, %get3A_191] {strides = array<i32>} : memref<32x256xf32, #tpu.memory_space<vmem>>, vector<1x16xf32>,
        %get3A_193 = vector.shape_cast %get3A_192 : vector<1x16xf32> to vector<16xf32>
        %max3A_194 = arith.maximumf %get3A_189, %get3A_193 : vector<16xf32>
        %swap3A_195 = arith.index_cast %squeeze3A_144 : i32 to index
        %swap3A_196 = arith.constant 48 : index
        %swap3A_197 = tpu.vector_load %arg7[%swap3A_195, %swap3A_196] {strides = array<i32>} : memref<321x256xf32, #tpu.memory_space<vmem>>, vector<1x16xf32>,
        %swap3A_198 = vector.shape_cast %swap3A_197 : vector<1x16xf32> to vector<16xf32>
        %swap3A_199 = vector.shape_cast %max3A_194 : vector<16xf32> to vector<1x16xf32>
        tpu.vector_store %arg7[%swap3A_195, %swap3A_196], %swap3A_199 {strides = array<i32>} : memref<321x256xf32, #tpu.memory_space<vmem>>, vector<1x16xf32>,
        %get3A_200 = arith.index_cast %squeeze3A_144 : i32 to index
        %get3A_201 = arith.constant 64 : index
        %get3A_202 = tpu.vector_load %arg7[%get3A_200, %get3A_201] {strides = array<i32>} : memref<321x256xf32, #tpu.memory_space<vmem>>, vector<1x16xf32>,
        %get3A_203 = vector.shape_cast %get3A_202 : vector<1x16xf32> to vector<16xf32>
        %get3A_204 = arith.index_cast %scan3A_135 : i32 to index
        %get3A_205 = arith.constant 64 : index
        %get3A_206 = tpu.vector_load %arg11[%get3A_204, %get3A_205] {strides = array<i32>} : memref<32x256xf32, #tpu.memory_space<vmem>>, vector<1x16xf32>,
        %get3A_207 = vector.shape_cast %get3A_206 : vector<1x16xf32> to vector<16xf32>
        %max3A_208 = arith.maximumf %get3A_203, %get3A_207 : vector<16xf32>
        %swap3A_209 = arith.index_cast %squeeze3A_144 : i32 to index
        %swap3A_210 = arith.constant 64 : index
        %swap3A_211 = tpu.vector_load %arg7[%swap3A_209, %swap3A_210] {strides = array<i32>} : memref<321x256xf32, #tpu.memory_space<vmem>>, vector<1x16xf32>,
        %swap3A_212 = vector.shape_cast %swap3A_211 : vector<1x16xf32> to vector<16xf32>
        %swap3A_213 = vector.shape_cast %max3A_208 : vector<16xf32> to vector<1x16xf32>
        tpu.vector_store %arg7[%swap3A_209, %swap3A_210], %swap3A_213 {strides = array<i32>} : memref<321x256xf32, #tpu.memory_space<vmem>>, vector<1x16xf32>,
        %get3A_214 = arith.index_cast %squeeze3A_144 : i32 to index
        %get3A_215 = arith.constant 80 : index
        %get3A_216 = tpu.vector_load %arg7[%get3A_214, %get3A_215] {strides = array<i32>} : memref<321x256xf32, #tpu.memory_space<vmem>>, vector<1x16xf32>,
        %get3A_217 = vector.shape_cast %get3A_216 : vector<1x16xf32> to vector<16xf32>
        %get3A_218 = arith.index_cast %scan3A_135 : i32 to index
        %get3A_219 = arith.constant 80 : index
        %get3A_220 = tpu.vector_load %arg11[%get3A_218, %get3A_219] {strides = array<i32>} : memref<32x256xf32, #tpu.memory_space<vmem>>, vector<1x16xf32>,
        %get3A_221 = vector.shape_cast %get3A_220 : vector<1x16xf32> to vector<16xf32>
        %max3A_222 = arith.maximumf %get3A_217, %get3A_221 : vector<16xf32>
        %swap3A_223 = arith.index_cast %squeeze3A_144 : i32 to index
        %swap3A_224 = arith.constant 80 : index
        %swap3A_225 = tpu.vector_load %arg7[%swap3A_223, %swap3A_224] {strides = array<i32>} : memref<321x256xf32, #tpu.memory_space<vmem>>, vector<1x16xf32>,
        %swap3A_226 = vector.shape_cast %swap3A_225 : vector<1x16xf32> to vector<16xf32>
        %swap3A_227 = vector.shape_cast %max3A_222 : vector<16xf32> to vector<1x16xf32>
        tpu.vector_store %arg7[%swap3A_223, %swap3A_224], %swap3A_227 {strides = array<i32>} : memref<321x256xf32, #tpu.memory_space<vmem>>, vector<1x16xf32>,
        %get3A_228 = arith.index_cast %squeeze3A_144 : i32 to index
        %get3A_229 = arith.constant 96 : index
        %get3A_230 = tpu.vector_load %arg7[%get3A_228, %get3A_229] {strides = array<i32>} : memref<321x256xf32, #tpu.memory_space<vmem>>, vector<1x16xf32>,
        %get3A_231 = vector.shape_cast %get3A_230 : vector<1x16xf32> to vector<16xf32>
        %get3A_232 = arith.index_cast %scan3A_135 : i32 to index
        %get3A_233 = arith.constant 96 : index
        %get3A_234 = tpu.vector_load %arg11[%get3A_232, %get3A_233] {strides = array<i32>} : memref<32x256xf32, #tpu.memory_space<vmem>>, vector<1x16xf32>,
        %get3A_235 = vector.shape_cast %get3A_234 : vector<1x16xf32> to vector<16xf32>
        %max3A_236 = arith.maximumf %get3A_231, %get3A_235 : vector<16xf32>
        %swap3A_237 = arith.index_cast %squeeze3A_144 : i32 to index
        %swap3A_238 = arith.constant 96 : index
        %swap3A_239 = tpu.vector_load %arg7[%swap3A_237, %swap3A_238] {strides = array<i32>} : memref<321x256xf32, #tpu.memory_space<vmem>>, vector<1x16xf32>,
        %swap3A_240 = vector.shape_cast %swap3A_239 : vector<1x16xf32> to vector<16xf32>
        %swap3A_241 = vector.shape_cast %max3A_236 : vector<16xf32> to vector<1x16xf32>
        tpu.vector_store %arg7[%swap3A_237, %swap3A_238], %swap3A_241 {strides = array<i32>} : memref<321x256xf32, #tpu.memory_space<vmem>>, vector<1x16xf32>,
        %get3A_242 = arith.index_cast %squeeze3A_144 : i32 to index
        %get3A_243 = arith.constant 112 : index
        %get3A_244 = tpu.vector_load %arg7[%get3A_242, %get3A_243] {strides = array<i32>} : memref<321x256xf32, #tpu.memory_space<vmem>>, vector<1x16xf32>,
        %get3A_245 = vector.shape_cast %get3A_244 : vector<1x16xf32> to vector<16xf32>
        %get3A_246 = arith.index_cast %scan3A_135 : i32 to index
        %get3A_247 = arith.constant 112 : index
        %get3A_248 = tpu.vector_load %arg11[%get3A_246, %get3A_247] {strides = array<i32>} : memref<32x256xf32, #tpu.memory_space<vmem>>, vector<1x16xf32>,
        %get3A_249 = vector.shape_cast %get3A_248 : vector<1x16xf32> to vector<16xf32>
        %max3A_250 = arith.maximumf %get3A_245, %get3A_249 : vector<16xf32>
        %swap3A_251 = arith.index_cast %squeeze3A_144 : i32 to index
        %swap3A_252 = arith.constant 112 : index
        %swap3A_253 = tpu.vector_load %arg7[%swap3A_251, %swap3A_252] {strides = array<i32>} : memref<321x256xf32, #tpu.memory_space<vmem>>, vector<1x16xf32>,
        %swap3A_254 = vector.shape_cast %swap3A_253 : vector<1x16xf32> to vector<16xf32>
        %swap3A_255 = vector.shape_cast %max3A_250 : vector<16xf32> to vector<1x16xf32>
        tpu.vector_store %arg7[%swap3A_251, %swap3A_252], %swap3A_255 {strides = array<i32>} : memref<321x256xf32, #tpu.memory_space<vmem>>, vector<1x16xf32>,
        %get3A_256 = arith.index_cast %squeeze3A_144 : i32 to index
        %get3A_257 = arith.constant 128 : index
        %get3A_258 = tpu.vector_load %arg7[%get3A_256, %get3A_257] {strides = array<i32>} : memref<321x256xf32, #tpu.memory_space<vmem>>, vector<1x16xf32>,
        %get3A_259 = vector.shape_cast %get3A_258 : vector<1x16xf32> to vector<16xf32>
        %get3A_260 = arith.index_cast %scan3A_135 : i32 to index
        %get3A_261 = arith.constant 128 : index
        %get3A_262 = tpu.vector_load %arg11[%get3A_260, %get3A_261] {strides = array<i32>} : memref<32x256xf32, #tpu.memory_space<vmem>>, vector<1x16xf32>,
        %get3A_263 = vector.shape_cast %get3A_262 : vector<1x16xf32> to vector<16xf32>
        %max3A_264 = arith.maximumf %get3A_259, %get3A_263 : vector<16xf32>
        %swap3A_265 = arith.index_cast %squeeze3A_144 : i32 to index
        %swap3A_266 = arith.constant 128 : index
        %swap3A_267 = tpu.vector_load %arg7[%swap3A_265, %swap3A_266] {strides = array<i32>} : memref<321x256xf32, #tpu.memory_space<vmem>>, vector<1x16xf32>,
        %swap3A_268 = vector.shape_cast %swap3A_267 : vector<1x16xf32> to vector<16xf32>
        %swap3A_269 = vector.shape_cast %max3A_264 : vector<16xf32> to vector<1x16xf32>
        tpu.vector_store %arg7[%swap3A_265, %swap3A_266], %swap3A_269 {strides = array<i32>} : memref<321x256xf32, #tpu.memory_space<vmem>>, vector<1x16xf32>,
        %get3A_270 = arith.index_cast %squeeze3A_144 : i32 to index
        %get3A_271 = arith.constant 144 : index
        %get3A_272 = tpu.vector_load %arg7[%get3A_270, %get3A_271] {strides = array<i32>} : memref<321x256xf32, #tpu.memory_space<vmem>>, vector<1x16xf32>,
        %get3A_273 = vector.shape_cast %get3A_272 : vector<1x16xf32> to vector<16xf32>
        %get3A_274 = arith.index_cast %scan3A_135 : i32 to index
        %get3A_275 = arith.constant 144 : index
        %get3A_276 = tpu.vector_load %arg11[%get3A_274, %get3A_275] {strides = array<i32>} : memref<32x256xf32, #tpu.memory_space<vmem>>, vector<1x16xf32>,
        %get3A_277 = vector.shape_cast %get3A_276 : vector<1x16xf32> to vector<16xf32>
        %max3A_278 = arith.maximumf %get3A_273, %get3A_277 : vector<16xf32>
        %swap3A_279 = arith.index_cast %squeeze3A_144 : i32 to index
        %swap3A_280 = arith.constant 144 : index
        %swap3A_281 = tpu.vector_load %arg7[%swap3A_279, %swap3A_280] {strides = array<i32>} : memref<321x256xf32, #tpu.memory_space<vmem>>, vector<1x16xf32>,
        %swap3A_282 = vector.shape_cast %swap3A_281 : vector<1x16xf32> to vector<16xf32>
        %swap3A_283 = vector.shape_cast %max3A_278 : vector<16xf32> to vector<1x16xf32>
        tpu.vector_store %arg7[%swap3A_279, %swap3A_280], %swap3A_283 {strides = array<i32>} : memref<321x256xf32, #tpu.memory_space<vmem>>, vector<1x16xf32>,
        %get3A_284 = arith.index_cast %squeeze3A_144 : i32 to index
        %get3A_285 = arith.constant 160 : index
        %get3A_286 = tpu.vector_load %arg7[%get3A_284, %get3A_285] {strides = array<i32>} : memref<321x256xf32, #tpu.memory_space<vmem>>, vector<1x16xf32>,
        %get3A_287 = vector.shape_cast %get3A_286 : vector<1x16xf32> to vector<16xf32>
        %get3A_288 = arith.index_cast %scan3A_135 : i32 to index
        %get3A_289 = arith.constant 160 : index
        %get3A_290 = tpu.vector_load %arg11[%get3A_288, %get3A_289] {strides = array<i32>} : memref<32x256xf32, #tpu.memory_space<vmem>>, vector<1x16xf32>,
        %get3A_291 = vector.shape_cast %get3A_290 : vector<1x16xf32> to vector<16xf32>
        %max3A_292 = arith.maximumf %get3A_287, %get3A_291 : vector<16xf32>
        %swap3A_293 = arith.index_cast %squeeze3A_144 : i32 to index
        %swap3A_294 = arith.constant 160 : index
        %swap3A_295 = tpu.vector_load %arg7[%swap3A_293, %swap3A_294] {strides = array<i32>} : memref<321x256xf32, #tpu.memory_space<vmem>>, vector<1x16xf32>,
        %swap3A_296 = vector.shape_cast %swap3A_295 : vector<1x16xf32> to vector<16xf32>
        %swap3A_297 = vector.shape_cast %max3A_292 : vector<16xf32> to vector<1x16xf32>
        tpu.vector_store %arg7[%swap3A_293, %swap3A_294], %swap3A_297 {strides = array<i32>} : memref<321x256xf32, #tpu.memory_space<vmem>>, vector<1x16xf32>,
        %get3A_298 = arith.index_cast %squeeze3A_144 : i32 to index
        %get3A_299 = arith.constant 176 : index
        %get3A_300 = tpu.vector_load %arg7[%get3A_298, %get3A_299] {strides = array<i32>} : memref<321x256xf32, #tpu.memory_space<vmem>>, vector<1x16xf32>,
        %get3A_301 = vector.shape_cast %get3A_300 : vector<1x16xf32> to vector<16xf32>
        %get3A_302 = arith.index_cast %scan3A_135 : i32 to index
        %get3A_303 = arith.constant 176 : index
        %get3A_304 = tpu.vector_load %arg11[%get3A_302, %get3A_303] {strides = array<i32>} : memref<32x256xf32, #tpu.memory_space<vmem>>, vector<1x16xf32>,
        %get3A_305 = vector.shape_cast %get3A_304 : vector<1x16xf32> to vector<16xf32>
        %max3A_306 = arith.maximumf %get3A_301, %get3A_305 : vector<16xf32>
        %swap3A_307 = arith.index_cast %squeeze3A_144 : i32 to index
        %swap3A_308 = arith.constant 176 : index
        %swap3A_309 = tpu.vector_load %arg7[%swap3A_307, %swap3A_308] {strides = array<i32>} : memref<321x256xf32, #tpu.memory_space<vmem>>, vector<1x16xf32>,
        %swap3A_310 = vector.shape_cast %swap3A_309 : vector<1x16xf32> to vector<16xf32>
        %swap3A_311 = vector.shape_cast %max3A_306 : vector<16xf32> to vector<1x16xf32>
        tpu.vector_store %arg7[%swap3A_307, %swap3A_308], %swap3A_311 {strides = array<i32>} : memref<321x256xf32, #tpu.memory_space<vmem>>, vector<1x16xf32>,
        %get3A_312 = arith.index_cast %squeeze3A_144 : i32 to index
        %get3A_313 = arith.constant 192 : index
        %get3A_314 = tpu.vector_load %arg7[%get3A_312, %get3A_313] {strides = array<i32>} : memref<321x256xf32, #tpu.memory_space<vmem>>, vector<1x16xf32>,
        %get3A_315 = vector.shape_cast %get3A_314 : vector<1x16xf32> to vector<16xf32>
        %get3A_316 = arith.index_cast %scan3A_135 : i32 to index
        %get3A_317 = arith.constant 192 : index
        %get3A_318 = tpu.vector_load %arg11[%get3A_316, %get3A_317] {strides = array<i32>} : memref<32x256xf32, #tpu.memory_space<vmem>>, vector<1x16xf32>,
        %get3A_319 = vector.shape_cast %get3A_318 : vector<1x16xf32> to vector<16xf32>
        %max3A_320 = arith.maximumf %get3A_315, %get3A_319 : vector<16xf32>
        %swap3A_321 = arith.index_cast %squeeze3A_144 : i32 to index
        %swap3A_322 = arith.constant 192 : index
        %swap3A_323 = tpu.vector_load %arg7[%swap3A_321, %swap3A_322] {strides = array<i32>} : memref<321x256xf32, #tpu.memory_space<vmem>>, vector<1x16xf32>,
        %swap3A_324 = vector.shape_cast %swap3A_323 : vector<1x16xf32> to vector<16xf32>
        %swap3A_325 = vector.shape_cast %max3A_320 : vector<16xf32> to vector<1x16xf32>
        tpu.vector_store %arg7[%swap3A_321, %swap3A_322], %swap3A_325 {strides = array<i32>} : memref<321x256xf32, #tpu.memory_space<vmem>>, vector<1x16xf32>,
        %get3A_326 = arith.index_cast %squeeze3A_144 : i32 to index
        %get3A_327 = arith.constant 208 : index
        %get3A_328 = tpu.vector_load %arg7[%get3A_326, %get3A_327] {strides = array<i32>} : memref<321x256xf32, #tpu.memory_space<vmem>>, vector<1x16xf32>,
        %get3A_329 = vector.shape_cast %get3A_328 : vector<1x16xf32> to vector<16xf32>
        %get3A_330 = arith.index_cast %scan3A_135 : i32 to index
        %get3A_331 = arith.constant 208 : index
        %get3A_332 = tpu.vector_load %arg11[%get3A_330, %get3A_331] {strides = array<i32>} : memref<32x256xf32, #tpu.memory_space<vmem>>, vector<1x16xf32>,
        %get3A_333 = vector.shape_cast %get3A_332 : vector<1x16xf32> to vector<16xf32>
        %max3A_334 = arith.maximumf %get3A_329, %get3A_333 : vector<16xf32>
        %swap3A_335 = arith.index_cast %squeeze3A_144 : i32 to index
        %swap3A_336 = arith.constant 208 : index
        %swap3A_337 = tpu.vector_load %arg7[%swap3A_335, %swap3A_336] {strides = array<i32>} : memref<321x256xf32, #tpu.memory_space<vmem>>, vector<1x16xf32>,
        %swap3A_338 = vector.shape_cast %swap3A_337 : vector<1x16xf32> to vector<16xf32>
        %swap3A_339 = vector.shape_cast %max3A_334 : vector<16xf32> to vector<1x16xf32>
        tpu.vector_store %arg7[%swap3A_335, %swap3A_336], %swap3A_339 {strides = array<i32>} : memref<321x256xf32, #tpu.memory_space<vmem>>, vector<1x16xf32>,
        %get3A_340 = arith.index_cast %squeeze3A_144 : i32 to index
        %get3A_341 = arith.constant 224 : index
        %get3A_342 = tpu.vector_load %arg7[%get3A_340, %get3A_341] {strides = array<i32>} : memref<321x256xf32, #tpu.memory_space<vmem>>, vector<1x16xf32>,
        %get3A_343 = vector.shape_cast %get3A_342 : vector<1x16xf32> to vector<16xf32>
        %get3A_344 = arith.index_cast %scan3A_135 : i32 to index
        %get3A_345 = arith.constant 224 : index
        %get3A_346 = tpu.vector_load %arg11[%get3A_344, %get3A_345] {strides = array<i32>} : memref<32x256xf32, #tpu.memory_space<vmem>>, vector<1x16xf32>,
        %get3A_347 = vector.shape_cast %get3A_346 : vector<1x16xf32> to vector<16xf32>
        %max3A_348 = arith.maximumf %get3A_343, %get3A_347 : vector<16xf32>
        %swap3A_349 = arith.index_cast %squeeze3A_144 : i32 to index
        %swap3A_350 = arith.constant 224 : index
        %swap3A_351 = tpu.vector_load %arg7[%swap3A_349, %swap3A_350] {strides = array<i32>} : memref<321x256xf32, #tpu.memory_space<vmem>>, vector<1x16xf32>,
        %swap3A_352 = vector.shape_cast %swap3A_351 : vector<1x16xf32> to vector<16xf32>
        %swap3A_353 = vector.shape_cast %max3A_348 : vector<16xf32> to vector<1x16xf32>
        tpu.vector_store %arg7[%swap3A_349, %swap3A_350], %swap3A_353 {strides = array<i32>} : memref<321x256xf32, #tpu.memory_space<vmem>>, vector<1x16xf32>,
        %get3A_354 = arith.index_cast %squeeze3A_144 : i32 to index
        %get3A_355 = arith.constant 240 : index
        %get3A_356 = tpu.vector_load %arg7[%get3A_354, %get3A_355] {strides = array<i32>} : memref<321x256xf32, #tpu.memory_space<vmem>>, vector<1x16xf32>,
        %get3A_357 = vector.shape_cast %get3A_356 : vector<1x16xf32> to vector<16xf32>
        %get3A_358 = arith.index_cast %scan3A_135 : i32 to index
        %get3A_359 = arith.constant 240 : index
        %get3A_360 = tpu.vector_load %arg11[%get3A_358, %get3A_359] {strides = array<i32>} : memref<32x256xf32, #tpu.memory_space<vmem>>, vector<1x16xf32>,
        %get3A_361 = vector.shape_cast %get3A_360 : vector<1x16xf32> to vector<16xf32>
        %max3A_362 = arith.maximumf %get3A_357, %get3A_361 : vector<16xf32>
        %swap3A_363 = arith.index_cast %squeeze3A_144 : i32 to index
        %swap3A_364 = arith.constant 240 : index
        %swap3A_365 = tpu.vector_load %arg7[%swap3A_363, %swap3A_364] {strides = array<i32>} : memref<321x256xf32, #tpu.memory_space<vmem>>, vector<1x16xf32>,
        %swap3A_366 = vector.shape_cast %swap3A_365 : vector<1x16xf32> to vector<16xf32>
        %swap3A_367 = vector.shape_cast %max3A_362 : vector<16xf32> to vector<1x16xf32>
        tpu.vector_store %arg7[%swap3A_363, %swap3A_364], %swap3A_367 {strides = array<i32>} : memref<321x256xf32, #tpu.memory_space<vmem>>, vector<1x16xf32>,
        %scan3A_368 = arith.constant 0 : i32
        scf.yield %scan3A_368 : i32
      }
      %scan3A_133 = arith.constant 32 : i32
      %while3A_134 = arith.constant 0 : i32
      scf.yield %while3A_134 : i32
    }
    %while3A_80 = arith.constant 1 : i32
    %while3A_81 = scf.for %while3A_87 = %while3A_77 to %while3A_73 step %while3A_80 iter_args(%while3A_88 = %while3A_79) -> (i32)  : i32 {
      %mul3A_89 = arith.constant 2 : i32
      %mul3A_90 = arith.muli %mul3A_89, %while3A_87 : i32
      %add3A_91 = arith.constant 1 : i32
      %add3A_92 = arith.addi %mul3A_90, %add3A_91 : i32
      %min3A = arith.minsi %add3A_92, %sub3A_34 : i32
      %mul3A_93 = arith.constant 32 : i32
      %mul3A_94 = arith.muli %min3A, %mul3A_93 : i32
      %dma_start3A_95 = tpu.memref_slice %arg8[%mul3A_94] : memref<6848xi32, #tpu.memory_space<vmem>> -> memref<32xi32, #tpu.memory_space<vmem>>
      %dma_start3A_96 = arith.constant 0 : i32
      %dma_start3A_97 = arith.constant 0 : i32
      %dma_start3A_98 = tpu.memref_slice %arg2[%dma_start3A_96, %dma_start3A_97] : memref<10000x256xf32, #tpu.memory_space<hbm>> -> memref<10000x256xf32, #tpu.memory_space<hbm>>
      tpu.enqueue_indirect_dma source(%dma_start3A_98 : memref<10000x256xf32, #tpu.memory_space<hbm>>) target(%arg11 : memref<32x256xf32, #tpu.memory_space<vmem>>) offsets(%dma_start3A_95 : memref<32xi32, #tpu.memory_space<vmem>>) semaphore(%arg14 : memref<!tpu.dma_semaphore, #tpu.memory_space<semaphore_mem>>)
      %dma_wait3A_99 = arith.constant 0 : i32
      %dma_wait3A_100 = arith.constant 0 : i32
      %dma_wait3A_101 = tpu.memref_slice %arg2[%dma_wait3A_99, %dma_wait3A_100] : memref<10000x256xf32, #tpu.memory_space<hbm>> -> memref<32x256xf32, #tpu.memory_space<hbm>>
      %dma_wait3A_102 = arith.constant 0 : i32
      %dma_wait3A_103 = arith.constant 0 : i32
      %dma_wait3A_104 = tpu.memref_slice %arg2[%dma_wait3A_102, %dma_wait3A_103] : memref<10000x256xf32, #tpu.memory_space<hbm>> -> memref<32x256xf32, #tpu.memory_space<hbm>>
      tpu.wait_dma2 semaphore(%arg13 : memref<!tpu.dma_semaphore, #tpu.memory_space<semaphore_mem>>) src(%dma_wait3A_104 : memref<32x256xf32, #tpu.memory_space<hbm>>) dst(%arg10 : memref<32x256xf32, #tpu.memory_space<vmem>>)
      %scan3A_105 = arith.constant 0 : i32
      %scan3A_106 = arith.constant 0 : i32
      %scan3A_107 = arith.constant 32 : i32
      %scan3A_108 = arith.addi %scan3A_106, %scan3A_107 : i32
      %scan3A_109 = arith.constant 1 : i32
      %scan3A_110 = scf.for %scan3A_135 = %scan3A_106 to %scan3A_108 step %scan3A_109 iter_args(%scan3A_136 = %scan3A_105) -> (i32)  : i32 {
        %mul3A_137 = arith.constant 32 : i32
        %mul3A_138 = arith.muli %mul3A_90, %mul3A_137 : i32
        %add3A_139 = arith.addi %mul3A_138, %scan3A_135 : i32
        %get3A_140 = arith.index_cast %add3A_139 : i32 to index
        %get3A_141 = tpu.vector_load %arg9[%get3A_140] {strides = array<i32>} : memref<6848xi32, #tpu.memory_space<vmem>>, vector<16xi32>,
        %get3A_142 = vector.shape_cast %get3A_141 : vector<16xi32> to vector<16xi32>
        %slice3A_143 = vector.extract_strided_slice %get3A_142 {offsets = [0], sizes = [1], strides = [1]} : vector<16xi32> to vector<1xi32>
        %squeeze3A_144 = vector.extract %slice3A_143[0] : i32 from vector<1xi32>
        %get3A_145 = arith.index_cast %squeeze3A_144 : i32 to index
        %get3A_146 = arith.constant 0 : index
        %get3A_147 = tpu.vector_load %arg7[%get3A_145, %get3A_146] {strides = array<i32>} : memref<321x256xf32, #tpu.memory_space<vmem>>, vector<1x16xf32>,
        %get3A_148 = vector.shape_cast %get3A_147 : vector<1x16xf32> to vector<16xf32>
        %get3A_149 = arith.index_cast %scan3A_135 : i32 to index
        %get3A_150 = arith.constant 0 : index
        %get3A_151 = tpu.vector_load %arg10[%get3A_149, %get3A_150] {strides = array<i32>} : memref<32x256xf32, #tpu.memory_space<vmem>>, vector<1x16xf32>,
        %get3A_152 = vector.shape_cast %get3A_151 : vector<1x16xf32> to vector<16xf32>
        %max3A_153 = arith.maximumf %get3A_148, %get3A_152 : vector<16xf32>
        %swap3A = arith.index_cast %squeeze3A_144 : i32 to index
        %swap3A_154 = arith.constant 0 : index
        %swap3A_155 = tpu.vector_load %arg7[%swap3A, %swap3A_154] {strides = array<i32>} : memref<321x256xf32, #tpu.memory_space<vmem>>, vector<1x16xf32>,
        %swap3A_156 = vector.shape_cast %swap3A_155 : vector<1x16xf32> to vector<16xf32>
        %swap3A_157 = vector.shape_cast %max3A_153 : vector<16xf32> to vector<1x16xf32>
        tpu.vector_store %arg7[%swap3A, %swap3A_154], %swap3A_157 {strides = array<i32>} : memref<321x256xf32, #tpu.memory_space<vmem>>, vector<1x16xf32>,
        %get3A_158 = arith.index_cast %squeeze3A_144 : i32 to index
        %get3A_159 = arith.constant 16 : index
        %get3A_160 = tpu.vector_load %arg7[%get3A_158, %get3A_159] {strides = array<i32>} : memref<321x256xf32, #tpu.memory_space<vmem>>, vector<1x16xf32>,
        %get3A_161 = vector.shape_cast %get3A_160 : vector<1x16xf32> to vector<16xf32>
        %get3A_162 = arith.index_cast %scan3A_135 : i32 to index
        %get3A_163 = arith.constant 16 : index
        %get3A_164 = tpu.vector_load %arg10[%get3A_162, %get3A_163] {strides = array<i32>} : memref<32x256xf32, #tpu.memory_space<vmem>>, vector<1x16xf32>,
        %get3A_165 = vector.shape_cast %get3A_164 : vector<1x16xf32> to vector<16xf32>
        %max3A_166 = arith.maximumf %get3A_161, %get3A_165 : vector<16xf32>
        %swap3A_167 = arith.index_cast %squeeze3A_144 : i32 to index
        %swap3A_168 = arith.constant 16 : index
        %swap3A_169 = tpu.vector_load %arg7[%swap3A_167, %swap3A_168] {strides = array<i32>} : memref<321x256xf32, #tpu.memory_space<vmem>>, vector<1x16xf32>,
        %swap3A_170 = vector.shape_cast %swap3A_169 : vector<1x16xf32> to vector<16xf32>
        %swap3A_171 = vector.shape_cast %max3A_166 : vector<16xf32> to vector<1x16xf32>
        tpu.vector_store %arg7[%swap3A_167, %swap3A_168], %swap3A_171 {strides = array<i32>} : memref<321x256xf32, #tpu.memory_space<vmem>>, vector<1x16xf32>,
        %get3A_172 = arith.index_cast %squeeze3A_144 : i32 to index
        %get3A_173 = arith.constant 32 : index
        %get3A_174 = tpu.vector_load %arg7[%get3A_172, %get3A_173] {strides = array<i32>} : memref<321x256xf32, #tpu.memory_space<vmem>>, vector<1x16xf32>,
        %get3A_175 = vector.shape_cast %get3A_174 : vector<1x16xf32> to vector<16xf32>
        %get3A_176 = arith.index_cast %scan3A_135 : i32 to index
        %get3A_177 = arith.constant 32 : index
        %get3A_178 = tpu.vector_load %arg10[%get3A_176, %get3A_177] {strides = array<i32>} : memref<32x256xf32, #tpu.memory_space<vmem>>, vector<1x16xf32>,
        %get3A_179 = vector.shape_cast %get3A_178 : vector<1x16xf32> to vector<16xf32>
        %max3A_180 = arith.maximumf %get3A_175, %get3A_179 : vector<16xf32>
        %swap3A_181 = arith.index_cast %squeeze3A_144 : i32 to index
        %swap3A_182 = arith.constant 32 : index
        %swap3A_183 = tpu.vector_load %arg7[%swap3A_181, %swap3A_182] {strides = array<i32>} : memref<321x256xf32, #tpu.memory_space<vmem>>, vector<1x16xf32>,
        %swap3A_184 = vector.shape_cast %swap3A_183 : vector<1x16xf32> to vector<16xf32>
        %swap3A_185 = vector.shape_cast %max3A_180 : vector<16xf32> to vector<1x16xf32>
        tpu.vector_store %arg7[%swap3A_181, %swap3A_182], %swap3A_185 {strides = array<i32>} : memref<321x256xf32, #tpu.memory_space<vmem>>, vector<1x16xf32>,
        %get3A_186 = arith.index_cast %squeeze3A_144 : i32 to index
        %get3A_187 = arith.constant 48 : index
        %get3A_188 = tpu.vector_load %arg7[%get3A_186, %get3A_187] {strides = array<i32>} : memref<321x256xf32, #tpu.memory_space<vmem>>, vector<1x16xf32>,
        %get3A_189 = vector.shape_cast %get3A_188 : vector<1x16xf32> to vector<16xf32>
        %get3A_190 = arith.index_cast %scan3A_135 : i32 to index
        %get3A_191 = arith.constant 48 : index
        %get3A_192 = tpu.vector_load %arg10[%get3A_190, %get3A_191] {strides = array<i32>} : memref<32x256xf32, #tpu.memory_space<vmem>>, vector<1x16xf32>,
        %get3A_193 = vector.shape_cast %get3A_192 : vector<1x16xf32> to vector<16xf32>
        %max3A_194 = arith.maximumf %get3A_189, %get3A_193 : vector<16xf32>
        %swap3A_195 = arith.index_cast %squeeze3A_144 : i32 to index
        %swap3A_196 = arith.constant 48 : index
        %swap3A_197 = tpu.vector_load %arg7[%swap3A_195, %swap3A_196] {strides = array<i32>} : memref<321x256xf32, #tpu.memory_space<vmem>>, vector<1x16xf32>,
        %swap3A_198 = vector.shape_cast %swap3A_197 : vector<1x16xf32> to vector<16xf32>
        %swap3A_199 = vector.shape_cast %max3A_194 : vector<16xf32> to vector<1x16xf32>
        tpu.vector_store %arg7[%swap3A_195, %swap3A_196], %swap3A_199 {strides = array<i32>} : memref<321x256xf32, #tpu.memory_space<vmem>>, vector<1x16xf32>,
        %get3A_200 = arith.index_cast %squeeze3A_144 : i32 to index
        %get3A_201 = arith.constant 64 : index
        %get3A_202 = tpu.vector_load %arg7[%get3A_200, %get3A_201] {strides = array<i32>} : memref<321x256xf32, #tpu.memory_space<vmem>>, vector<1x16xf32>,
        %get3A_203 = vector.shape_cast %get3A_202 : vector<1x16xf32> to vector<16xf32>
        %get3A_204 = arith.index_cast %scan3A_135 : i32 to index
        %get3A_205 = arith.constant 64 : index
        %get3A_206 = tpu.vector_load %arg10[%get3A_204, %get3A_205] {strides = array<i32>} : memref<32x256xf32, #tpu.memory_space<vmem>>, vector<1x16xf32>,
        %get3A_207 = vector.shape_cast %get3A_206 : vector<1x16xf32> to vector<16xf32>
        %max3A_208 = arith.maximumf %get3A_203, %get3A_207 : vector<16xf32>
        %swap3A_209 = arith.index_cast %squeeze3A_144 : i32 to index
        %swap3A_210 = arith.constant 64 : index
        %swap3A_211 = tpu.vector_load %arg7[%swap3A_209, %swap3A_210] {strides = array<i32>} : memref<321x256xf32, #tpu.memory_space<vmem>>, vector<1x16xf32>,
        %swap3A_212 = vector.shape_cast %swap3A_211 : vector<1x16xf32> to vector<16xf32>
        %swap3A_213 = vector.shape_cast %max3A_208 : vector<16xf32> to vector<1x16xf32>
        tpu.vector_store %arg7[%swap3A_209, %swap3A_210], %swap3A_213 {strides = array<i32>} : memref<321x256xf32, #tpu.memory_space<vmem>>, vector<1x16xf32>,
        %get3A_214 = arith.index_cast %squeeze3A_144 : i32 to index
        %get3A_215 = arith.constant 80 : index
        %get3A_216 = tpu.vector_load %arg7[%get3A_214, %get3A_215] {strides = array<i32>} : memref<321x256xf32, #tpu.memory_space<vmem>>, vector<1x16xf32>,
        %get3A_217 = vector.shape_cast %get3A_216 : vector<1x16xf32> to vector<16xf32>
        %get3A_218 = arith.index_cast %scan3A_135 : i32 to index
        %get3A_219 = arith.constant 80 : index
        %get3A_220 = tpu.vector_load %arg10[%get3A_218, %get3A_219] {strides = array<i32>} : memref<32x256xf32, #tpu.memory_space<vmem>>, vector<1x16xf32>,
        %get3A_221 = vector.shape_cast %get3A_220 : vector<1x16xf32> to vector<16xf32>
        %max3A_222 = arith.maximumf %get3A_217, %get3A_221 : vector<16xf32>
        %swap3A_223 = arith.index_cast %squeeze3A_144 : i32 to index
        %swap3A_224 = arith.constant 80 : index
        %swap3A_225 = tpu.vector_load %arg7[%swap3A_223, %swap3A_224] {strides = array<i32>} : memref<321x256xf32, #tpu.memory_space<vmem>>, vector<1x16xf32>,
        %swap3A_226 = vector.shape_cast %swap3A_225 : vector<1x16xf32> to vector<16xf32>
        %swap3A_227 = vector.shape_cast %max3A_222 : vector<16xf32> to vector<1x16xf32>
        tpu.vector_store %arg7[%swap3A_223, %swap3A_224], %swap3A_227 {strides = array<i32>} : memref<321x256xf32, #tpu.memory_space<vmem>>, vector<1x16xf32>,
        %get3A_228 = arith.index_cast %squeeze3A_144 : i32 to index
        %get3A_229 = arith.constant 96 : index
        %get3A_230 = tpu.vector_load %arg7[%get3A_228, %get3A_229] {strides = array<i32>} : memref<321x256xf32, #tpu.memory_space<vmem>>, vector<1x16xf32>,
        %get3A_231 = vector.shape_cast %get3A_230 : vector<1x16xf32> to vector<16xf32>
        %get3A_232 = arith.index_cast %scan3A_135 : i32 to index
        %get3A_233 = arith.constant 96 : index
        %get3A_234 = tpu.vector_load %arg10[%get3A_232, %get3A_233] {strides = array<i32>} : memref<32x256xf32, #tpu.memory_space<vmem>>, vector<1x16xf32>,
        %get3A_235 = vector.shape_cast %get3A_234 : vector<1x16xf32> to vector<16xf32>
        %max3A_236 = arith.maximumf %get3A_231, %get3A_235 : vector<16xf32>
        %swap3A_237 = arith.index_cast %squeeze3A_144 : i32 to index
        %swap3A_238 = arith.constant 96 : index
        %swap3A_239 = tpu.vector_load %arg7[%swap3A_237, %swap3A_238] {strides = array<i32>} : memref<321x256xf32, #tpu.memory_space<vmem>>, vector<1x16xf32>,
        %swap3A_240 = vector.shape_cast %swap3A_239 : vector<1x16xf32> to vector<16xf32>
        %swap3A_241 = vector.shape_cast %max3A_236 : vector<16xf32> to vector<1x16xf32>
        tpu.vector_store %arg7[%swap3A_237, %swap3A_238], %swap3A_241 {strides = array<i32>} : memref<321x256xf32, #tpu.memory_space<vmem>>, vector<1x16xf32>,
        %get3A_242 = arith.index_cast %squeeze3A_144 : i32 to index
        %get3A_243 = arith.constant 112 : index
        %get3A_244 = tpu.vector_load %arg7[%get3A_242, %get3A_243] {strides = array<i32>} : memref<321x256xf32, #tpu.memory_space<vmem>>, vector<1x16xf32>,
        %get3A_245 = vector.shape_cast %get3A_244 : vector<1x16xf32> to vector<16xf32>
        %get3A_246 = arith.index_cast %scan3A_135 : i32 to index
        %get3A_247 = arith.constant 112 : index
        %get3A_248 = tpu.vector_load %arg10[%get3A_246, %get3A_247] {strides = array<i32>} : memref<32x256xf32, #tpu.memory_space<vmem>>, vector<1x16xf32>,
        %get3A_249 = vector.shape_cast %get3A_248 : vector<1x16xf32> to vector<16xf32>
        %max3A_250 = arith.maximumf %get3A_245, %get3A_249 : vector<16xf32>
        %swap3A_251 = arith.index_cast %squeeze3A_144 : i32 to index
        %swap3A_252 = arith.constant 112 : index
        %swap3A_253 = tpu.vector_load %arg7[%swap3A_251, %swap3A_252] {strides = array<i32>} : memref<321x256xf32, #tpu.memory_space<vmem>>, vector<1x16xf32>,
        %swap3A_254 = vector.shape_cast %swap3A_253 : vector<1x16xf32> to vector<16xf32>
        %swap3A_255 = vector.shape_cast %max3A_250 : vector<16xf32> to vector<1x16xf32>
        tpu.vector_store %arg7[%swap3A_251, %swap3A_252], %swap3A_255 {strides = array<i32>} : memref<321x256xf32, #tpu.memory_space<vmem>>, vector<1x16xf32>,
        %get3A_256 = arith.index_cast %squeeze3A_144 : i32 to index
        %get3A_257 = arith.constant 128 : index
        %get3A_258 = tpu.vector_load %arg7[%get3A_256, %get3A_257] {strides = array<i32>} : memref<321x256xf32, #tpu.memory_space<vmem>>, vector<1x16xf32>,
        %get3A_259 = vector.shape_cast %get3A_258 : vector<1x16xf32> to vector<16xf32>
        %get3A_260 = arith.index_cast %scan3A_135 : i32 to index
        %get3A_261 = arith.constant 128 : index
        %get3A_262 = tpu.vector_load %arg10[%get3A_260, %get3A_261] {strides = array<i32>} : memref<32x256xf32, #tpu.memory_space<vmem>>, vector<1x16xf32>,
        %get3A_263 = vector.shape_cast %get3A_262 : vector<1x16xf32> to vector<16xf32>
        %max3A_264 = arith.maximumf %get3A_259, %get3A_263 : vector<16xf32>
        %swap3A_265 = arith.index_cast %squeeze3A_144 : i32 to index
        %swap3A_266 = arith.constant 128 : index
        %swap3A_267 = tpu.vector_load %arg7[%swap3A_265, %swap3A_266] {strides = array<i32>} : memref<321x256xf32, #tpu.memory_space<vmem>>, vector<1x16xf32>,
        %swap3A_268 = vector.shape_cast %swap3A_267 : vector<1x16xf32> to vector<16xf32>
        %swap3A_269 = vector.shape_cast %max3A_264 : vector<16xf32> to vector<1x16xf32>
        tpu.vector_store %arg7[%swap3A_265, %swap3A_266], %swap3A_269 {strides = array<i32>} : memref<321x256xf32, #tpu.memory_space<vmem>>, vector<1x16xf32>,
        %get3A_270 = arith.index_cast %squeeze3A_144 : i32 to index
        %get3A_271 = arith.constant 144 : index
        %get3A_272 = tpu.vector_load %arg7[%get3A_270, %get3A_271] {strides = array<i32>} : memref<321x256xf32, #tpu.memory_space<vmem>>, vector<1x16xf32>,
        %get3A_273 = vector.shape_cast %get3A_272 : vector<1x16xf32> to vector<16xf32>
        %get3A_274 = arith.index_cast %scan3A_135 : i32 to index
        %get3A_275 = arith.constant 144 : index
        %get3A_276 = tpu.vector_load %arg10[%get3A_274, %get3A_275] {strides = array<i32>} : memref<32x256xf32, #tpu.memory_space<vmem>>, vector<1x16xf32>,
        %get3A_277 = vector.shape_cast %get3A_276 : vector<1x16xf32> to vector<16xf32>
        %max3A_278 = arith.maximumf %get3A_273, %get3A_277 : vector<16xf32>
        %swap3A_279 = arith.index_cast %squeeze3A_144 : i32 to index
        %swap3A_280 = arith.constant 144 : index
        %swap3A_281 = tpu.vector_load %arg7[%swap3A_279, %swap3A_280] {strides = array<i32>} : memref<321x256xf32, #tpu.memory_space<vmem>>, vector<1x16xf32>,
        %swap3A_282 = vector.shape_cast %swap3A_281 : vector<1x16xf32> to vector<16xf32>
        %swap3A_283 = vector.shape_cast %max3A_278 : vector<16xf32> to vector<1x16xf32>
        tpu.vector_store %arg7[%swap3A_279, %swap3A_280], %swap3A_283 {strides = array<i32>} : memref<321x256xf32, #tpu.memory_space<vmem>>, vector<1x16xf32>,
        %get3A_284 = arith.index_cast %squeeze3A_144 : i32 to index
        %get3A_285 = arith.constant 160 : index
        %get3A_286 = tpu.vector_load %arg7[%get3A_284, %get3A_285] {strides = array<i32>} : memref<321x256xf32, #tpu.memory_space<vmem>>, vector<1x16xf32>,
        %get3A_287 = vector.shape_cast %get3A_286 : vector<1x16xf32> to vector<16xf32>
        %get3A_288 = arith.index_cast %scan3A_135 : i32 to index
        %get3A_289 = arith.constant 160 : index
        %get3A_290 = tpu.vector_load %arg10[%get3A_288, %get3A_289] {strides = array<i32>} : memref<32x256xf32, #tpu.memory_space<vmem>>, vector<1x16xf32>,
        %get3A_291 = vector.shape_cast %get3A_290 : vector<1x16xf32> to vector<16xf32>
        %max3A_292 = arith.maximumf %get3A_287, %get3A_291 : vector<16xf32>
        %swap3A_293 = arith.index_cast %squeeze3A_144 : i32 to index
        %swap3A_294 = arith.constant 160 : index
        %swap3A_295 = tpu.vector_load %arg7[%swap3A_293, %swap3A_294] {strides = array<i32>} : memref<321x256xf32, #tpu.memory_space<vmem>>, vector<1x16xf32>,
        %swap3A_296 = vector.shape_cast %swap3A_295 : vector<1x16xf32> to vector<16xf32>
        %swap3A_297 = vector.shape_cast %max3A_292 : vector<16xf32> to vector<1x16xf32>
        tpu.vector_store %arg7[%swap3A_293, %swap3A_294], %swap3A_297 {strides = array<i32>} : memref<321x256xf32, #tpu.memory_space<vmem>>, vector<1x16xf32>,
        %get3A_298 = arith.index_cast %squeeze3A_144 : i32 to index
        %get3A_299 = arith.constant 176 : index
        %get3A_300 = tpu.vector_load %arg7[%get3A_298, %get3A_299] {strides = array<i32>} : memref<321x256xf32, #tpu.memory_space<vmem>>, vector<1x16xf32>,
        %get3A_301 = vector.shape_cast %get3A_300 : vector<1x16xf32> to vector<16xf32>
        %get3A_302 = arith.index_cast %scan3A_135 : i32 to index
        %get3A_303 = arith.constant 176 : index
        %get3A_304 = tpu.vector_load %arg10[%get3A_302, %get3A_303] {strides = array<i32>} : memref<32x256xf32, #tpu.memory_space<vmem>>, vector<1x16xf32>,
        %get3A_305 = vector.shape_cast %get3A_304 : vector<1x16xf32> to vector<16xf32>
        %max3A_306 = arith.maximumf %get3A_301, %get3A_305 : vector<16xf32>
        %swap3A_307 = arith.index_cast %squeeze3A_144 : i32 to index
        %swap3A_308 = arith.constant 176 : index
        %swap3A_309 = tpu.vector_load %arg7[%swap3A_307, %swap3A_308] {strides = array<i32>} : memref<321x256xf32, #tpu.memory_space<vmem>>, vector<1x16xf32>,
        %swap3A_310 = vector.shape_cast %swap3A_309 : vector<1x16xf32> to vector<16xf32>
        %swap3A_311 = vector.shape_cast %max3A_306 : vector<16xf32> to vector<1x16xf32>
        tpu.vector_store %arg7[%swap3A_307, %swap3A_308], %swap3A_311 {strides = array<i32>} : memref<321x256xf32, #tpu.memory_space<vmem>>, vector<1x16xf32>,
        %get3A_312 = arith.index_cast %squeeze3A_144 : i32 to index
        %get3A_313 = arith.constant 192 : index
        %get3A_314 = tpu.vector_load %arg7[%get3A_312, %get3A_313] {strides = array<i32>} : memref<321x256xf32, #tpu.memory_space<vmem>>, vector<1x16xf32>,
        %get3A_315 = vector.shape_cast %get3A_314 : vector<1x16xf32> to vector<16xf32>
        %get3A_316 = arith.index_cast %scan3A_135 : i32 to index
        %get3A_317 = arith.constant 192 : index
        %get3A_318 = tpu.vector_load %arg10[%get3A_316, %get3A_317] {strides = array<i32>} : memref<32x256xf32, #tpu.memory_space<vmem>>, vector<1x16xf32>,
        %get3A_319 = vector.shape_cast %get3A_318 : vector<1x16xf32> to vector<16xf32>
        %max3A_320 = arith.maximumf %get3A_315, %get3A_319 : vector<16xf32>
        %swap3A_321 = arith.index_cast %squeeze3A_144 : i32 to index
        %swap3A_322 = arith.constant 192 : index
        %swap3A_323 = tpu.vector_load %arg7[%swap3A_321, %swap3A_322] {strides = array<i32>} : memref<321x256xf32, #tpu.memory_space<vmem>>, vector<1x16xf32>,
        %swap3A_324 = vector.shape_cast %swap3A_323 : vector<1x16xf32> to vector<16xf32>
        %swap3A_325 = vector.shape_cast %max3A_320 : vector<16xf32> to vector<1x16xf32>
        tpu.vector_store %arg7[%swap3A_321, %swap3A_322], %swap3A_325 {strides = array<i32>} : memref<321x256xf32, #tpu.memory_space<vmem>>, vector<1x16xf32>,
        %get3A_326 = arith.index_cast %squeeze3A_144 : i32 to index
        %get3A_327 = arith.constant 208 : index
        %get3A_328 = tpu.vector_load %arg7[%get3A_326, %get3A_327] {strides = array<i32>} : memref<321x256xf32, #tpu.memory_space<vmem>>, vector<1x16xf32>,
        %get3A_329 = vector.shape_cast %get3A_328 : vector<1x16xf32> to vector<16xf32>
        %get3A_330 = arith.index_cast %scan3A_135 : i32 to index
        %get3A_331 = arith.constant 208 : index
        %get3A_332 = tpu.vector_load %arg10[%get3A_330, %get3A_331] {strides = array<i32>} : memref<32x256xf32, #tpu.memory_space<vmem>>, vector<1x16xf32>,
        %get3A_333 = vector.shape_cast %get3A_332 : vector<1x16xf32> to vector<16xf32>
        %max3A_334 = arith.maximumf %get3A_329, %get3A_333 : vector<16xf32>
        %swap3A_335 = arith.index_cast %squeeze3A_144 : i32 to index
        %swap3A_336 = arith.constant 208 : index
        %swap3A_337 = tpu.vector_load %arg7[%swap3A_335, %swap3A_336] {strides = array<i32>} : memref<321x256xf32, #tpu.memory_space<vmem>>, vector<1x16xf32>,
        %swap3A_338 = vector.shape_cast %swap3A_337 : vector<1x16xf32> to vector<16xf32>
        %swap3A_339 = vector.shape_cast %max3A_334 : vector<16xf32> to vector<1x16xf32>
        tpu.vector_store %arg7[%swap3A_335, %swap3A_336], %swap3A_339 {strides = array<i32>} : memref<321x256xf32, #tpu.memory_space<vmem>>, vector<1x16xf32>,
        %get3A_340 = arith.index_cast %squeeze3A_144 : i32 to index
        %get3A_341 = arith.constant 224 : index
        %get3A_342 = tpu.vector_load %arg7[%get3A_340, %get3A_341] {strides = array<i32>} : memref<321x256xf32, #tpu.memory_space<vmem>>, vector<1x16xf32>,
        %get3A_343 = vector.shape_cast %get3A_342 : vector<1x16xf32> to vector<16xf32>
        %get3A_344 = arith.index_cast %scan3A_135 : i32 to index
        %get3A_345 = arith.constant 224 : index
        %get3A_346 = tpu.vector_load %arg10[%get3A_344, %get3A_345] {strides = array<i32>} : memref<32x256xf32, #tpu.memory_space<vmem>>, vector<1x16xf32>,
        %get3A_347 = vector.shape_cast %get3A_346 : vector<1x16xf32> to vector<16xf32>
        %max3A_348 = arith.maximumf %get3A_343, %get3A_347 : vector<16xf32>
        %swap3A_349 = arith.index_cast %squeeze3A_144 : i32 to index
        %swap3A_350 = arith.constant 224 : index
        %swap3A_351 = tpu.vector_load %arg7[%swap3A_349, %swap3A_350] {strides = array<i32>} : memref<321x256xf32, #tpu.memory_space<vmem>>, vector<1x16xf32>,
        %swap3A_352 = vector.shape_cast %swap3A_351 : vector<1x16xf32> to vector<16xf32>
        %swap3A_353 = vector.shape_cast %max3A_348 : vector<16xf32> to vector<1x16xf32>
        tpu.vector_store %arg7[%swap3A_349, %swap3A_350], %swap3A_353 {strides = array<i32>} : memref<321x256xf32, #tpu.memory_space<vmem>>, vector<1x16xf32>,
        %get3A_354 = arith.index_cast %squeeze3A_144 : i32 to index
        %get3A_355 = arith.constant 240 : index
        %get3A_356 = tpu.vector_load %arg7[%get3A_354, %get3A_355] {strides = array<i32>} : memref<321x256xf32, #tpu.memory_space<vmem>>, vector<1x16xf32>,
        %get3A_357 = vector.shape_cast %get3A_356 : vector<1x16xf32> to vector<16xf32>
        %get3A_358 = arith.index_cast %scan3A_135 : i32 to index
        %get3A_359 = arith.constant 240 : index
        %get3A_360 = tpu.vector_load %arg10[%get3A_358, %get3A_359] {strides = array<i32>} : memref<32x256xf32, #tpu.memory_space<vmem>>, vector<1x16xf32>,
        %get3A_361 = vector.shape_cast %get3A_360 : vector<1x16xf32> to vector<16xf32>
        %max3A_362 = arith.maximumf %get3A_357, %get3A_361 : vector<16xf32>
        %swap3A_363 = arith.index_cast %squeeze3A_144 : i32 to index
        %swap3A_364 = arith.constant 240 : index
        %swap3A_365 = tpu.vector_load %arg7[%swap3A_363, %swap3A_364] {strides = array<i32>} : memref<321x256xf32, #tpu.memory_space<vmem>>, vector<1x16xf32>,
        %swap3A_366 = vector.shape_cast %swap3A_365 : vector<1x16xf32> to vector<16xf32>
        %swap3A_367 = vector.shape_cast %max3A_362 : vector<16xf32> to vector<1x16xf32>
        tpu.vector_store %arg7[%swap3A_363, %swap3A_364], %swap3A_367 {strides = array<i32>} : memref<321x256xf32, #tpu.memory_space<vmem>>, vector<1x16xf32>,
        %scan3A_368 = arith.constant 0 : i32
        scf.yield %scan3A_368 : i32
      }
      %scan3A_111 = arith.constant 32 : i32
      %add3A_112 = arith.constant 2 : i32
      %add3A_113 = arith.addi %mul3A_90, %add3A_112 : i32
      %min3A_114 = arith.minsi %add3A_113, %sub3A_34 : i32
      %mul3A_115 = arith.constant 32 : i32
      %mul3A_116 = arith.muli %min3A_114, %mul3A_115 : i32
      %dma_start3A_117 = tpu.memref_slice %arg8[%mul3A_116] : memref<6848xi32, #tpu.memory_space<vmem>> -> memref<32xi32, #tpu.memory_space<vmem>>
      %dma_start3A_118 = arith.constant 0 : i32
      %dma_start3A_119 = arith.constant 0 : i32
      %dma_start3A_120 = tpu.memref_slice %arg2[%dma_start3A_118, %dma_start3A_119] : memref<10000x256xf32, #tpu.memory_space<hbm>> -> memref<10000x256xf32, #tpu.memory_space<hbm>>
      tpu.enqueue_indirect_dma source(%dma_start3A_120 : memref<10000x256xf32, #tpu.memory_space<hbm>>) target(%arg10 : memref<32x256xf32, #tpu.memory_space<vmem>>) offsets(%dma_start3A_117 : memref<32xi32, #tpu.memory_space<vmem>>) semaphore(%arg13 : memref<!tpu.dma_semaphore, #tpu.memory_space<semaphore_mem>>)
      %dma_wait3A_121 = arith.constant 0 : i32
      %dma_wait3A_122 = arith.constant 0 : i32
      %dma_wait3A_123 = tpu.memref_slice %arg2[%dma_wait3A_121, %dma_wait3A_122] : memref<10000x256xf32, #tpu.memory_space<hbm>> -> memref<32x256xf32, #tpu.memory_space<hbm>>
      %dma_wait3A_124 = arith.constant 0 : i32
      %dma_wait3A_125 = arith.constant 0 : i32
      %dma_wait3A_126 = tpu.memref_slice %arg2[%dma_wait3A_124, %dma_wait3A_125] : memref<10000x256xf32, #tpu.memory_space<hbm>> -> memref<32x256xf32, #tpu.memory_space<hbm>>
      tpu.wait_dma2 semaphore(%arg14 : memref<!tpu.dma_semaphore, #tpu.memory_space<semaphore_mem>>) src(%dma_wait3A_126 : memref<32x256xf32, #tpu.memory_space<hbm>>) dst(%arg11 : memref<32x256xf32, #tpu.memory_space<vmem>>)
      %scan3A_127 = arith.constant 0 : i32
      %scan3A_128 = arith.constant 0 : i32
      %scan3A_129 = arith.constant 32 : i32
      %scan3A_130 = arith.addi %scan3A_128, %scan3A_129 : i32
      %scan3A_131 = arith.constant 1 : i32
      %scan3A_132 = scf.for %scan3A_135 = %scan3A_128 to %scan3A_130 step %scan3A_131 iter_args(%scan3A_136 = %scan3A_127) -> (i32)  : i32 {
        %mul3A_137 = arith.constant 32 : i32
        %mul3A_138 = arith.muli %add3A_92, %mul3A_137 : i32
        %add3A_139 = arith.addi %mul3A_138, %scan3A_135 : i32
        %get3A_140 = arith.index_cast %add3A_139 : i32 to index
        %get3A_141 = tpu.vector_load %arg9[%get3A_140] {strides = array<i32>} : memref<6848xi32, #tpu.memory_space<vmem>>, vector<16xi32>,
        %get3A_142 = vector.shape_cast %get3A_141 : vector<16xi32> to vector<16xi32>
        %slice3A_143 = vector.extract_strided_slice %get3A_142 {offsets = [0], sizes = [1], strides = [1]} : vector<16xi32> to vector<1xi32>
        %squeeze3A_144 = vector.extract %slice3A_143[0] : i32 from vector<1xi32>
        %get3A_145 = arith.index_cast %squeeze3A_144 : i32 to index
        %get3A_146 = arith.constant 0 : index
        %get3A_147 = tpu.vector_load %arg7[%get3A_145, %get3A_146] {strides = array<i32>} : memref<321x256xf32, #tpu.memory_space<vmem>>, vector<1x16xf32>,
        %get3A_148 = vector.shape_cast %get3A_147 : vector<1x16xf32> to vector<16xf32>
        %get3A_149 = arith.index_cast %scan3A_135 : i32 to index
        %get3A_150 = arith.constant 0 : index
        %get3A_151 = tpu.vector_load %arg11[%get3A_149, %get3A_150] {strides = array<i32>} : memref<32x256xf32, #tpu.memory_space<vmem>>, vector<1x16xf32>,
        %get3A_152 = vector.shape_cast %get3A_151 : vector<1x16xf32> to vector<16xf32>
        %max3A_153 = arith.maximumf %get3A_148, %get3A_152 : vector<16xf32>
        %swap3A = arith.index_cast %squeeze3A_144 : i32 to index
        %swap3A_154 = arith.constant 0 : index
        %swap3A_155 = tpu.vector_load %arg7[%swap3A, %swap3A_154] {strides = array<i32>} : memref<321x256xf32, #tpu.memory_space<vmem>>, vector<1x16xf32>,
        %swap3A_156 = vector.shape_cast %swap3A_155 : vector<1x16xf32> to vector<16xf32>
        %swap3A_157 = vector.shape_cast %max3A_153 : vector<16xf32> to vector<1x16xf32>
        tpu.vector_store %arg7[%swap3A, %swap3A_154], %swap3A_157 {strides = array<i32>} : memref<321x256xf32, #tpu.memory_space<vmem>>, vector<1x16xf32>,
        %get3A_158 = arith.index_cast %squeeze3A_144 : i32 to index
        %get3A_159 = arith.constant 16 : index
        %get3A_160 = tpu.vector_load %arg7[%get3A_158, %get3A_159] {strides = array<i32>} : memref<321x256xf32, #tpu.memory_space<vmem>>, vector<1x16xf32>,
        %get3A_161 = vector.shape_cast %get3A_160 : vector<1x16xf32> to vector<16xf32>
        %get3A_162 = arith.index_cast %scan3A_135 : i32 to index
        %get3A_163 = arith.constant 16 : index
        %get3A_164 = tpu.vector_load %arg11[%get3A_162, %get3A_163] {strides = array<i32>} : memref<32x256xf32, #tpu.memory_space<vmem>>, vector<1x16xf32>,
        %get3A_165 = vector.shape_cast %get3A_164 : vector<1x16xf32> to vector<16xf32>
        %max3A_166 = arith.maximumf %get3A_161, %get3A_165 : vector<16xf32>
        %swap3A_167 = arith.index_cast %squeeze3A_144 : i32 to index
        %swap3A_168 = arith.constant 16 : index
        %swap3A_169 = tpu.vector_load %arg7[%swap3A_167, %swap3A_168] {strides = array<i32>} : memref<321x256xf32, #tpu.memory_space<vmem>>, vector<1x16xf32>,
        %swap3A_170 = vector.shape_cast %swap3A_169 : vector<1x16xf32> to vector<16xf32>
        %swap3A_171 = vector.shape_cast %max3A_166 : vector<16xf32> to vector<1x16xf32>
        tpu.vector_store %arg7[%swap3A_167, %swap3A_168], %swap3A_171 {strides = array<i32>} : memref<321x256xf32, #tpu.memory_space<vmem>>, vector<1x16xf32>,
        %get3A_172 = arith.index_cast %squeeze3A_144 : i32 to index
        %get3A_173 = arith.constant 32 : index
        %get3A_174 = tpu.vector_load %arg7[%get3A_172, %get3A_173] {strides = array<i32>} : memref<321x256xf32, #tpu.memory_space<vmem>>, vector<1x16xf32>,
        %get3A_175 = vector.shape_cast %get3A_174 : vector<1x16xf32> to vector<16xf32>
        %get3A_176 = arith.index_cast %scan3A_135 : i32 to index
        %get3A_177 = arith.constant 32 : index
        %get3A_178 = tpu.vector_load %arg11[%get3A_176, %get3A_177] {strides = array<i32>} : memref<32x256xf32, #tpu.memory_space<vmem>>, vector<1x16xf32>,
        %get3A_179 = vector.shape_cast %get3A_178 : vector<1x16xf32> to vector<16xf32>
        %max3A_180 = arith.maximumf %get3A_175, %get3A_179 : vector<16xf32>
        %swap3A_181 = arith.index_cast %squeeze3A_144 : i32 to index
        %swap3A_182 = arith.constant 32 : index
        %swap3A_183 = tpu.vector_load %arg7[%swap3A_181, %swap3A_182] {strides = array<i32>} : memref<321x256xf32, #tpu.memory_space<vmem>>, vector<1x16xf32>,
        %swap3A_184 = vector.shape_cast %swap3A_183 : vector<1x16xf32> to vector<16xf32>
        %swap3A_185 = vector.shape_cast %max3A_180 : vector<16xf32> to vector<1x16xf32>
        tpu.vector_store %arg7[%swap3A_181, %swap3A_182], %swap3A_185 {strides = array<i32>} : memref<321x256xf32, #tpu.memory_space<vmem>>, vector<1x16xf32>,
        %get3A_186 = arith.index_cast %squeeze3A_144 : i32 to index
        %get3A_187 = arith.constant 48 : index
        %get3A_188 = tpu.vector_load %arg7[%get3A_186, %get3A_187] {strides = array<i32>} : memref<321x256xf32, #tpu.memory_space<vmem>>, vector<1x16xf32>,
        %get3A_189 = vector.shape_cast %get3A_188 : vector<1x16xf32> to vector<16xf32>
        %get3A_190 = arith.index_cast %scan3A_135 : i32 to index
        %get3A_191 = arith.constant 48 : index
        %get3A_192 = tpu.vector_load %arg11[%get3A_190, %get3A_191] {strides = array<i32>} : memref<32x256xf32, #tpu.memory_space<vmem>>, vector<1x16xf32>,
        %get3A_193 = vector.shape_cast %get3A_192 : vector<1x16xf32> to vector<16xf32>
        %max3A_194 = arith.maximumf %get3A_189, %get3A_193 : vector<16xf32>
        %swap3A_195 = arith.index_cast %squeeze3A_144 : i32 to index
        %swap3A_196 = arith.constant 48 : index
        %swap3A_197 = tpu.vector_load %arg7[%swap3A_195, %swap3A_196] {strides = array<i32>} : memref<321x256xf32, #tpu.memory_space<vmem>>, vector<1x16xf32>,
        %swap3A_198 = vector.shape_cast %swap3A_197 : vector<1x16xf32> to vector<16xf32>
        %swap3A_199 = vector.shape_cast %max3A_194 : vector<16xf32> to vector<1x16xf32>
        tpu.vector_store %arg7[%swap3A_195, %swap3A_196], %swap3A_199 {strides = array<i32>} : memref<321x256xf32, #tpu.memory_space<vmem>>, vector<1x16xf32>,
        %get3A_200 = arith.index_cast %squeeze3A_144 : i32 to index
        %get3A_201 = arith.constant 64 : index
        %get3A_202 = tpu.vector_load %arg7[%get3A_200, %get3A_201] {strides = array<i32>} : memref<321x256xf32, #tpu.memory_space<vmem>>, vector<1x16xf32>,
        %get3A_203 = vector.shape_cast %get3A_202 : vector<1x16xf32> to vector<16xf32>
        %get3A_204 = arith.index_cast %scan3A_135 : i32 to index
        %get3A_205 = arith.constant 64 : index
        %get3A_206 = tpu.vector_load %arg11[%get3A_204, %get3A_205] {strides = array<i32>} : memref<32x256xf32, #tpu.memory_space<vmem>>, vector<1x16xf32>,
        %get3A_207 = vector.shape_cast %get3A_206 : vector<1x16xf32> to vector<16xf32>
        %max3A_208 = arith.maximumf %get3A_203, %get3A_207 : vector<16xf32>
        %swap3A_209 = arith.index_cast %squeeze3A_144 : i32 to index
        %swap3A_210 = arith.constant 64 : index
        %swap3A_211 = tpu.vector_load %arg7[%swap3A_209, %swap3A_210] {strides = array<i32>} : memref<321x256xf32, #tpu.memory_space<vmem>>, vector<1x16xf32>,
        %swap3A_212 = vector.shape_cast %swap3A_211 : vector<1x16xf32> to vector<16xf32>
        %swap3A_213 = vector.shape_cast %max3A_208 : vector<16xf32> to vector<1x16xf32>
        tpu.vector_store %arg7[%swap3A_209, %swap3A_210], %swap3A_213 {strides = array<i32>} : memref<321x256xf32, #tpu.memory_space<vmem>>, vector<1x16xf32>,
        %get3A_214 = arith.index_cast %squeeze3A_144 : i32 to index
        %get3A_215 = arith.constant 80 : index
        %get3A_216 = tpu.vector_load %arg7[%get3A_214, %get3A_215] {strides = array<i32>} : memref<321x256xf32, #tpu.memory_space<vmem>>, vector<1x16xf32>,
        %get3A_217 = vector.shape_cast %get3A_216 : vector<1x16xf32> to vector<16xf32>
        %get3A_218 = arith.index_cast %scan3A_135 : i32 to index
        %get3A_219 = arith.constant 80 : index
        %get3A_220 = tpu.vector_load %arg11[%get3A_218, %get3A_219] {strides = array<i32>} : memref<32x256xf32, #tpu.memory_space<vmem>>, vector<1x16xf32>,
        %get3A_221 = vector.shape_cast %get3A_220 : vector<1x16xf32> to vector<16xf32>
        %max3A_222 = arith.maximumf %get3A_217, %get3A_221 : vector<16xf32>
        %swap3A_223 = arith.index_cast %squeeze3A_144 : i32 to index
        %swap3A_224 = arith.constant 80 : index
        %swap3A_225 = tpu.vector_load %arg7[%swap3A_223, %swap3A_224] {strides = array<i32>} : memref<321x256xf32, #tpu.memory_space<vmem>>, vector<1x16xf32>,
        %swap3A_226 = vector.shape_cast %swap3A_225 : vector<1x16xf32> to vector<16xf32>
        %swap3A_227 = vector.shape_cast %max3A_222 : vector<16xf32> to vector<1x16xf32>
        tpu.vector_store %arg7[%swap3A_223, %swap3A_224], %swap3A_227 {strides = array<i32>} : memref<321x256xf32, #tpu.memory_space<vmem>>, vector<1x16xf32>,
        %get3A_228 = arith.index_cast %squeeze3A_144 : i32 to index
        %get3A_229 = arith.constant 96 : index
        %get3A_230 = tpu.vector_load %arg7[%get3A_228, %get3A_229] {strides = array<i32>} : memref<321x256xf32, #tpu.memory_space<vmem>>, vector<1x16xf32>,
        %get3A_231 = vector.shape_cast %get3A_230 : vector<1x16xf32> to vector<16xf32>
        %get3A_232 = arith.index_cast %scan3A_135 : i32 to index
        %get3A_233 = arith.constant 96 : index
        %get3A_234 = tpu.vector_load %arg11[%get3A_232, %get3A_233] {strides = array<i32>} : memref<32x256xf32, #tpu.memory_space<vmem>>, vector<1x16xf32>,
        %get3A_235 = vector.shape_cast %get3A_234 : vector<1x16xf32> to vector<16xf32>
        %max3A_236 = arith.maximumf %get3A_231, %get3A_235 : vector<16xf32>
        %swap3A_237 = arith.index_cast %squeeze3A_144 : i32 to index
        %swap3A_238 = arith.constant 96 : index
        %swap3A_239 = tpu.vector_load %arg7[%swap3A_237, %swap3A_238] {strides = array<i32>} : memref<321x256xf32, #tpu.memory_space<vmem>>, vector<1x16xf32>,
        %swap3A_240 = vector.shape_cast %swap3A_239 : vector<1x16xf32> to vector<16xf32>
        %swap3A_241 = vector.shape_cast %max3A_236 : vector<16xf32> to vector<1x16xf32>
        tpu.vector_store %arg7[%swap3A_237, %swap3A_238], %swap3A_241 {strides = array<i32>} : memref<321x256xf32, #tpu.memory_space<vmem>>, vector<1x16xf32>,
        %get3A_242 = arith.index_cast %squeeze3A_144 : i32 to index
        %get3A_243 = arith.constant 112 : index
        %get3A_244 = tpu.vector_load %arg7[%get3A_242, %get3A_243] {strides = array<i32>} : memref<321x256xf32, #tpu.memory_space<vmem>>, vector<1x16xf32>,
        %get3A_245 = vector.shape_cast %get3A_244 : vector<1x16xf32> to vector<16xf32>
        %get3A_246 = arith.index_cast %scan3A_135 : i32 to index
        %get3A_247 = arith.constant 112 : index
        %get3A_248 = tpu.vector_load %arg11[%get3A_246, %get3A_247] {strides = array<i32>} : memref<32x256xf32, #tpu.memory_space<vmem>>, vector<1x16xf32>,
        %get3A_249 = vector.shape_cast %get3A_248 : vector<1x16xf32> to vector<16xf32>
        %max3A_250 = arith.maximumf %get3A_245, %get3A_249 : vector<16xf32>
        %swap3A_251 = arith.index_cast %squeeze3A_144 : i32 to index
        %swap3A_252 = arith.constant 112 : index
        %swap3A_253 = tpu.vector_load %arg7[%swap3A_251, %swap3A_252] {strides = array<i32>} : memref<321x256xf32, #tpu.memory_space<vmem>>, vector<1x16xf32>,
        %swap3A_254 = vector.shape_cast %swap3A_253 : vector<1x16xf32> to vector<16xf32>
        %swap3A_255 = vector.shape_cast %max3A_250 : vector<16xf32> to vector<1x16xf32>
        tpu.vector_store %arg7[%swap3A_251, %swap3A_252], %swap3A_255 {strides = array<i32>} : memref<321x256xf32, #tpu.memory_space<vmem>>, vector<1x16xf32>,
        %get3A_256 = arith.index_cast %squeeze3A_144 : i32 to index
        %get3A_257 = arith.constant 128 : index
        %get3A_258 = tpu.vector_load %arg7[%get3A_256, %get3A_257] {strides = array<i32>} : memref<321x256xf32, #tpu.memory_space<vmem>>, vector<1x16xf32>,
        %get3A_259 = vector.shape_cast %get3A_258 : vector<1x16xf32> to vector<16xf32>
        %get3A_260 = arith.index_cast %scan3A_135 : i32 to index
        %get3A_261 = arith.constant 128 : index
        %get3A_262 = tpu.vector_load %arg11[%get3A_260, %get3A_261] {strides = array<i32>} : memref<32x256xf32, #tpu.memory_space<vmem>>, vector<1x16xf32>,
        %get3A_263 = vector.shape_cast %get3A_262 : vector<1x16xf32> to vector<16xf32>
        %max3A_264 = arith.maximumf %get3A_259, %get3A_263 : vector<16xf32>
        %swap3A_265 = arith.index_cast %squeeze3A_144 : i32 to index
        %swap3A_266 = arith.constant 128 : index
        %swap3A_267 = tpu.vector_load %arg7[%swap3A_265, %swap3A_266] {strides = array<i32>} : memref<321x256xf32, #tpu.memory_space<vmem>>, vector<1x16xf32>,
        %swap3A_268 = vector.shape_cast %swap3A_267 : vector<1x16xf32> to vector<16xf32>
        %swap3A_269 = vector.shape_cast %max3A_264 : vector<16xf32> to vector<1x16xf32>
        tpu.vector_store %arg7[%swap3A_265, %swap3A_266], %swap3A_269 {strides = array<i32>} : memref<321x256xf32, #tpu.memory_space<vmem>>, vector<1x16xf32>,
        %get3A_270 = arith.index_cast %squeeze3A_144 : i32 to index
        %get3A_271 = arith.constant 144 : index
        %get3A_272 = tpu.vector_load %arg7[%get3A_270, %get3A_271] {strides = array<i32>} : memref<321x256xf32, #tpu.memory_space<vmem>>, vector<1x16xf32>,
        %get3A_273 = vector.shape_cast %get3A_272 : vector<1x16xf32> to vector<16xf32>
        %get3A_274 = arith.index_cast %scan3A_135 : i32 to index
        %get3A_275 = arith.constant 144 : index
        %get3A_276 = tpu.vector_load %arg11[%get3A_274, %get3A_275] {strides = array<i32>} : memref<32x256xf32, #tpu.memory_space<vmem>>, vector<1x16xf32>,
        %get3A_277 = vector.shape_cast %get3A_276 : vector<1x16xf32> to vector<16xf32>
        %max3A_278 = arith.maximumf %get3A_273, %get3A_277 : vector<16xf32>
        %swap3A_279 = arith.index_cast %squeeze3A_144 : i32 to index
        %swap3A_280 = arith.constant 144 : index
        %swap3A_281 = tpu.vector_load %arg7[%swap3A_279, %swap3A_280] {strides = array<i32>} : memref<321x256xf32, #tpu.memory_space<vmem>>, vector<1x16xf32>,
        %swap3A_282 = vector.shape_cast %swap3A_281 : vector<1x16xf32> to vector<16xf32>
        %swap3A_283 = vector.shape_cast %max3A_278 : vector<16xf32> to vector<1x16xf32>
        tpu.vector_store %arg7[%swap3A_279, %swap3A_280], %swap3A_283 {strides = array<i32>} : memref<321x256xf32, #tpu.memory_space<vmem>>, vector<1x16xf32>,
        %get3A_284 = arith.index_cast %squeeze3A_144 : i32 to index
        %get3A_285 = arith.constant 160 : index
        %get3A_286 = tpu.vector_load %arg7[%get3A_284, %get3A_285] {strides = array<i32>} : memref<321x256xf32, #tpu.memory_space<vmem>>, vector<1x16xf32>,
        %get3A_287 = vector.shape_cast %get3A_286 : vector<1x16xf32> to vector<16xf32>
        %get3A_288 = arith.index_cast %scan3A_135 : i32 to index
        %get3A_289 = arith.constant 160 : index
        %get3A_290 = tpu.vector_load %arg11[%get3A_288, %get3A_289] {strides = array<i32>} : memref<32x256xf32, #tpu.memory_space<vmem>>, vector<1x16xf32>,
        %get3A_291 = vector.shape_cast %get3A_290 : vector<1x16xf32> to vector<16xf32>
        %max3A_292 = arith.maximumf %get3A_287, %get3A_291 : vector<16xf32>
        %swap3A_293 = arith.index_cast %squeeze3A_144 : i32 to index
        %swap3A_294 = arith.constant 160 : index
        %swap3A_295 = tpu.vector_load %arg7[%swap3A_293, %swap3A_294] {strides = array<i32>} : memref<321x256xf32, #tpu.memory_space<vmem>>, vector<1x16xf32>,
        %swap3A_296 = vector.shape_cast %swap3A_295 : vector<1x16xf32> to vector<16xf32>
        %swap3A_297 = vector.shape_cast %max3A_292 : vector<16xf32> to vector<1x16xf32>
        tpu.vector_store %arg7[%swap3A_293, %swap3A_294], %swap3A_297 {strides = array<i32>} : memref<321x256xf32, #tpu.memory_space<vmem>>, vector<1x16xf32>,
        %get3A_298 = arith.index_cast %squeeze3A_144 : i32 to index
        %get3A_299 = arith.constant 176 : index
        %get3A_300 = tpu.vector_load %arg7[%get3A_298, %get3A_299] {strides = array<i32>} : memref<321x256xf32, #tpu.memory_space<vmem>>, vector<1x16xf32>,
        %get3A_301 = vector.shape_cast %get3A_300 : vector<1x16xf32> to vector<16xf32>
        %get3A_302 = arith.index_cast %scan3A_135 : i32 to index
        %get3A_303 = arith.constant 176 : index
        %get3A_304 = tpu.vector_load %arg11[%get3A_302, %get3A_303] {strides = array<i32>} : memref<32x256xf32, #tpu.memory_space<vmem>>, vector<1x16xf32>,
        %get3A_305 = vector.shape_cast %get3A_304 : vector<1x16xf32> to vector<16xf32>
        %max3A_306 = arith.maximumf %get3A_301, %get3A_305 : vector<16xf32>
        %swap3A_307 = arith.index_cast %squeeze3A_144 : i32 to index
        %swap3A_308 = arith.constant 176 : index
        %swap3A_309 = tpu.vector_load %arg7[%swap3A_307, %swap3A_308] {strides = array<i32>} : memref<321x256xf32, #tpu.memory_space<vmem>>, vector<1x16xf32>,
        %swap3A_310 = vector.shape_cast %swap3A_309 : vector<1x16xf32> to vector<16xf32>
        %swap3A_311 = vector.shape_cast %max3A_306 : vector<16xf32> to vector<1x16xf32>
        tpu.vector_store %arg7[%swap3A_307, %swap3A_308], %swap3A_311 {strides = array<i32>} : memref<321x256xf32, #tpu.memory_space<vmem>>, vector<1x16xf32>,
        %get3A_312 = arith.index_cast %squeeze3A_144 : i32 to index
        %get3A_313 = arith.constant 192 : index
        %get3A_314 = tpu.vector_load %arg7[%get3A_312, %get3A_313] {strides = array<i32>} : memref<321x256xf32, #tpu.memory_space<vmem>>, vector<1x16xf32>,
        %get3A_315 = vector.shape_cast %get3A_314 : vector<1x16xf32> to vector<16xf32>
        %get3A_316 = arith.index_cast %scan3A_135 : i32 to index
        %get3A_317 = arith.constant 192 : index
        %get3A_318 = tpu.vector_load %arg11[%get3A_316, %get3A_317] {strides = array<i32>} : memref<32x256xf32, #tpu.memory_space<vmem>>, vector<1x16xf32>,
        %get3A_319 = vector.shape_cast %get3A_318 : vector<1x16xf32> to vector<16xf32>
        %max3A_320 = arith.maximumf %get3A_315, %get3A_319 : vector<16xf32>
        %swap3A_321 = arith.index_cast %squeeze3A_144 : i32 to index
        %swap3A_322 = arith.constant 192 : index
        %swap3A_323 = tpu.vector_load %arg7[%swap3A_321, %swap3A_322] {strides = array<i32>} : memref<321x256xf32, #tpu.memory_space<vmem>>, vector<1x16xf32>,
        %swap3A_324 = vector.shape_cast %swap3A_323 : vector<1x16xf32> to vector<16xf32>
        %swap3A_325 = vector.shape_cast %max3A_320 : vector<16xf32> to vector<1x16xf32>
        tpu.vector_store %arg7[%swap3A_321, %swap3A_322], %swap3A_325 {strides = array<i32>} : memref<321x256xf32, #tpu.memory_space<vmem>>, vector<1x16xf32>,
        %get3A_326 = arith.index_cast %squeeze3A_144 : i32 to index
        %get3A_327 = arith.constant 208 : index
        %get3A_328 = tpu.vector_load %arg7[%get3A_326, %get3A_327] {strides = array<i32>} : memref<321x256xf32, #tpu.memory_space<vmem>>, vector<1x16xf32>,
        %get3A_329 = vector.shape_cast %get3A_328 : vector<1x16xf32> to vector<16xf32>
        %get3A_330 = arith.index_cast %scan3A_135 : i32 to index
        %get3A_331 = arith.constant 208 : index
        %get3A_332 = tpu.vector_load %arg11[%get3A_330, %get3A_331] {strides = array<i32>} : memref<32x256xf32, #tpu.memory_space<vmem>>, vector<1x16xf32>,
        %get3A_333 = vector.shape_cast %get3A_332 : vector<1x16xf32> to vector<16xf32>
        %max3A_334 = arith.maximumf %get3A_329, %get3A_333 : vector<16xf32>
        %swap3A_335 = arith.index_cast %squeeze3A_144 : i32 to index
        %swap3A_336 = arith.constant 208 : index
        %swap3A_337 = tpu.vector_load %arg7[%swap3A_335, %swap3A_336] {strides = array<i32>} : memref<321x256xf32, #tpu.memory_space<vmem>>, vector<1x16xf32>,
        %swap3A_338 = vector.shape_cast %swap3A_337 : vector<1x16xf32> to vector<16xf32>
        %swap3A_339 = vector.shape_cast %max3A_334 : vector<16xf32> to vector<1x16xf32>
        tpu.vector_store %arg7[%swap3A_335, %swap3A_336], %swap3A_339 {strides = array<i32>} : memref<321x256xf32, #tpu.memory_space<vmem>>, vector<1x16xf32>,
        %get3A_340 = arith.index_cast %squeeze3A_144 : i32 to index
        %get3A_341 = arith.constant 224 : index
        %get3A_342 = tpu.vector_load %arg7[%get3A_340, %get3A_341] {strides = array<i32>} : memref<321x256xf32, #tpu.memory_space<vmem>>, vector<1x16xf32>,
        %get3A_343 = vector.shape_cast %get3A_342 : vector<1x16xf32> to vector<16xf32>
        %get3A_344 = arith.index_cast %scan3A_135 : i32 to index
        %get3A_345 = arith.constant 224 : index
        %get3A_346 = tpu.vector_load %arg11[%get3A_344, %get3A_345] {strides = array<i32>} : memref<32x256xf32, #tpu.memory_space<vmem>>, vector<1x16xf32>,
        %get3A_347 = vector.shape_cast %get3A_346 : vector<1x16xf32> to vector<16xf32>
        %max3A_348 = arith.maximumf %get3A_343, %get3A_347 : vector<16xf32>
        %swap3A_349 = arith.index_cast %squeeze3A_144 : i32 to index
        %swap3A_350 = arith.constant 224 : index
        %swap3A_351 = tpu.vector_load %arg7[%swap3A_349, %swap3A_350] {strides = array<i32>} : memref<321x256xf32, #tpu.memory_space<vmem>>, vector<1x16xf32>,
        %swap3A_352 = vector.shape_cast %swap3A_351 : vector<1x16xf32> to vector<16xf32>
        %swap3A_353 = vector.shape_cast %max3A_348 : vector<16xf32> to vector<1x16xf32>
        tpu.vector_store %arg7[%swap3A_349, %swap3A_350], %swap3A_353 {strides = array<i32>} : memref<321x256xf32, #tpu.memory_space<vmem>>, vector<1x16xf32>,
        %get3A_354 = arith.index_cast %squeeze3A_144 : i32 to index
        %get3A_355 = arith.constant 240 : index
        %get3A_356 = tpu.vector_load %arg7[%get3A_354, %get3A_355] {strides = array<i32>} : memref<321x256xf32, #tpu.memory_space<vmem>>, vector<1x16xf32>,
        %get3A_357 = vector.shape_cast %get3A_356 : vector<1x16xf32> to vector<16xf32>
        %get3A_358 = arith.index_cast %scan3A_135 : i32 to index
        %get3A_359 = arith.constant 240 : index
        %get3A_360 = tpu.vector_load %arg11[%get3A_358, %get3A_359] {strides = array<i32>} : memref<32x256xf32, #tpu.memory_space<vmem>>, vector<1x16xf32>,
        %get3A_361 = vector.shape_cast %get3A_360 : vector<1x16xf32> to vector<16xf32>
        %max3A_362 = arith.maximumf %get3A_357, %get3A_361 : vector<16xf32>
        %swap3A_363 = arith.index_cast %squeeze3A_144 : i32 to index
        %swap3A_364 = arith.constant 240 : index
        %swap3A_365 = tpu.vector_load %arg7[%swap3A_363, %swap3A_364] {strides = array<i32>} : memref<321x256xf32, #tpu.memory_space<vmem>>, vector<1x16xf32>,
        %swap3A_366 = vector.shape_cast %swap3A_365 : vector<1x16xf32> to vector<16xf32>
        %swap3A_367 = vector.shape_cast %max3A_362 : vector<16xf32> to vector<1x16xf32>
        tpu.vector_store %arg7[%swap3A_363, %swap3A_364], %swap3A_367 {strides = array<i32>} : memref<321x256xf32, #tpu.memory_space<vmem>>, vector<1x16xf32>,
        %scan3A_368 = arith.constant 0 : i32
        scf.yield %scan3A_368 : i32
      }
      %scan3A_133 = arith.constant 32 : i32
      %while3A_134 = arith.constant 0 : i32
      scf.yield %while3A_134 : i32
    }
    %dma_wait3A = arith.constant 0 : i32
    %dma_wait3A_82 = arith.constant 0 : i32
    %dma_wait3A_83 = tpu.memref_slice %arg2[%dma_wait3A, %dma_wait3A_82] : memref<10000x256xf32, #tpu.memory_space<hbm>> -> memref<32x256xf32, #tpu.memory_space<hbm>>
    %dma_wait3A_84 = arith.constant 0 : i32
    %dma_wait3A_85 = arith.constant 0 : i32
    %dma_wait3A_86 = tpu.memref_slice %arg2[%dma_wait3A_84, %dma_wait3A_85] : memref<10000x256xf32, #tpu.memory_space<hbm>> -> memref<32x256xf32, #tpu.memory_space<hbm>>
    tpu.wait_dma2 semaphore(%arg13 : memref<!tpu.dma_semaphore, #tpu.memory_space<semaphore_mem>>) src(%dma_wait3A_86 : memref<32x256xf32, #tpu.memory_space<hbm>>) dst(%arg10 : memref<32x256xf32, #tpu.memory_space<vmem>>)
    "tpu.region"() ({
      %run_scoped3A = tpu.sem_alloc : memref<!tpu.dma_semaphore, #tpu.memory_space<semaphore_mem>>
      %dma_start3A_87 = arith.constant 0 : i32
      %dma_start3A_88 = arith.constant 0 : i32
      %dma_start3A_89 = tpu.memref_slice %arg7[%dma_start3A_87, %dma_start3A_88] : memref<321x256xf32, #tpu.memory_space<vmem>> -> memref<320x256xf32, #tpu.memory_space<vmem>>
      %dma_start3A_90 = arith.constant 0 : i32
      %dma_start3A_91 = tpu.memref_slice %arg6[%mul3A_2, %dma_start3A_90] : memref<10240x256xf32, #tpu.memory_space<hbm>> -> memref<320x256xf32, #tpu.memory_space<hbm>>
      %dma_start3A_92 = arith.constant 0 : i32
      %dma_start3A_93 = tpu.memref_slice %arg6[%mul3A_2, %dma_start3A_92] : memref<10240x256xf32, #tpu.memory_space<hbm>> -> memref<320x256xf32, #tpu.memory_space<hbm>>
      %dma_start3A_94 = arith.constant 0 : i32
      %dma_start3A_95 = arith.constant 0 : i32
      %dma_start3A_96 = tpu.memref_slice %arg7[%dma_start3A_94, %dma_start3A_95] : memref<321x256xf32, #tpu.memory_space<vmem>> -> memref<320x256xf32, #tpu.memory_space<vmem>>
      tpu.enqueue_dma source(%dma_start3A_96 : memref<320x256xf32, #tpu.memory_space<vmem>>) target(%dma_start3A_93 : memref<320x256xf32, #tpu.memory_space<hbm>>) target_semaphore(%run_scoped3A : memref<!tpu.dma_semaphore, #tpu.memory_space<semaphore_mem>>)
      %dma_wait3A_97 = arith.constant 0 : i32
      %dma_wait3A_98 = arith.constant 0 : i32
      %dma_wait3A_99 = tpu.memref_slice %arg7[%dma_wait3A_97, %dma_wait3A_98] : memref<321x256xf32, #tpu.memory_space<vmem>> -> memref<320x256xf32, #tpu.memory_space<vmem>>
      %dma_wait3A_100 = arith.constant 0 : i32
      %dma_wait3A_101 = tpu.memref_slice %arg6[%mul3A_2, %dma_wait3A_100] : memref<10240x256xf32, #tpu.memory_space<hbm>> -> memref<320x256xf32, #tpu.memory_space<hbm>>
      %dma_wait3A_102 = arith.constant 0 : i32
      %dma_wait3A_103 = tpu.memref_slice %arg6[%mul3A_2, %dma_wait3A_102] : memref<10240x256xf32, #tpu.memory_space<hbm>> -> memref<320x256xf32, #tpu.memory_space<hbm>>
      %dma_wait3A_104 = arith.constant 0 : i32
      %dma_wait3A_105 = arith.constant 0 : i32
      %dma_wait3A_106 = tpu.memref_slice %arg7[%dma_wait3A_104, %dma_wait3A_105] : memref<321x256xf32, #tpu.memory_space<vmem>> -> memref<320x256xf32, #tpu.memory_space<vmem>>
      tpu.wait_dma2 semaphore(%run_scoped3A : memref<!tpu.dma_semaphore, #tpu.memory_space<semaphore_mem>>) src(%dma_wait3A_106 : memref<320x256xf32, #tpu.memory_space<vmem>>) dst(%dma_wait3A_103 : memref<320x256xf32, #tpu.memory_space<hbm>>)
      tpu.yield
    }) : () -> ()
    return
  }
}

module attributes {stable_mosaic.version = 14 : i64} {
  func.func @_ln1_body(%arg0: i32, %arg1: memref<1000x256xf32, #tpu.memory_space<vmem>>, %arg2: memref<256xf32, #tpu.memory_space<vmem>>, %arg3: memref<256xf32, #tpu.memory_space<vmem>>, %arg4: memref<1000x256xf32, #tpu.memory_space<vmem>>) attributes {dimension_semantics = [#tpu.dimension_semantics<arbitrary>], iteration_bounds = array<i64: 10>, scalar_prefetch = 0 : i64, scratch_operands = 0 : i64, tpu.core_type = #tpu.core_type<tc>, window_params = [{transform_indices = @transform_0, window_bounds = array<i64: 1000, 256>}, {pipeline_mode = #tpu.pipeline_mode<synchronous>, transform_indices = @transform_1, window_bounds = array<i64: 256>}, {pipeline_mode = #tpu.pipeline_mode<synchronous>, transform_indices = @transform_2, window_bounds = array<i64: 256>}, {transform_indices = @transform_3, window_bounds = array<i64: 1000, 256>}]} {
    %get3A = arith.constant 0 : index
    %get3A_0 = arith.constant 0 : index
    %get3A_1 = vector.load %arg1[%get3A, %get3A_0] : memref<1000x256xf32, #tpu.memory_space<vmem>>, vector<1000x256xf32>
    %get3A_2 = arith.constant 0 : index
    %get3A_3 = vector.load %arg2[%get3A_2] : memref<256xf32, #tpu.memory_space<vmem>>, vector<256xf32>
    %get3A_4 = arith.constant 0 : index
    %get3A_5 = vector.load %arg3[%get3A_4] : memref<256xf32, #tpu.memory_space<vmem>>, vector<256xf32>
    %reduce_sum3A = arith.constant dense<0.000000e+00> : vector<1000xf32>
    %reduce_sum3A_6 = vector.multi_reduction <add>, %get3A_1, %reduce_sum3A [1] : vector<1000x256xf32> to vector<1000xf32>
    %broadcast_in_dim3A = vector.shape_cast %reduce_sum3A_6 : vector<1000xf32> to vector<1000x1xf32>
    %div3A = arith.constant 2.560000e+02 : f32
    %div3A_7 = vector.broadcast %div3A : f32 to vector<1000x1xf32>
    %div3A_8 = arith.divf %broadcast_in_dim3A, %div3A_7 : vector<1000x1xf32>
    %sub3A = vector.broadcast %div3A_8 : vector<1000x1xf32> to vector<1000x256xf32>
    %sub3A_9 = arith.subf %get3A_1, %sub3A : vector<1000x256xf32>
    %integer_pow3A = arith.mulf %sub3A_9, %sub3A_9 : vector<1000x256xf32>
    %reduce_sum3A_10 = arith.constant dense<0.000000e+00> : vector<1000xf32>
    %reduce_sum3A_11 = vector.multi_reduction <add>, %integer_pow3A, %reduce_sum3A_10 [1] : vector<1000x256xf32> to vector<1000xf32>
    %broadcast_in_dim3A_12 = vector.shape_cast %reduce_sum3A_11 : vector<1000xf32> to vector<1000x1xf32>
    %div3A_13 = arith.constant 2.560000e+02 : f32
    %div3A_14 = vector.broadcast %div3A_13 : f32 to vector<1000x1xf32>
    %div3A_15 = arith.divf %broadcast_in_dim3A_12, %div3A_14 : vector<1000x1xf32>
    %sub3A_16 = vector.broadcast %div3A_8 : vector<1000x1xf32> to vector<1000x256xf32>
    %sub3A_17 = arith.subf %get3A_1, %sub3A_16 : vector<1000x256xf32>
    %add3A = arith.constant 9.99999974E-6 : f32
    %add3A_18 = vector.broadcast %add3A : f32 to vector<1000x1xf32>
    %add3A_19 = arith.addf %div3A_15, %add3A_18 : vector<1000x1xf32>
    %rsqrt3A = math.rsqrt %add3A_19 : vector<1000x1xf32>
    %mul3A = vector.broadcast %rsqrt3A : vector<1000x1xf32> to vector<1000x256xf32>
    %mul3A_20 = arith.mulf %sub3A_17, %mul3A : vector<1000x256xf32>
    %broadcast_in_dim3A_21 = vector.shape_cast %get3A_3 : vector<256xf32> to vector<1x256xf32>
    %mul3A_22 = vector.broadcast %broadcast_in_dim3A_21 : vector<1x256xf32> to vector<1000x256xf32>
    %mul3A_23 = arith.mulf %mul3A_20, %mul3A_22 : vector<1000x256xf32>
    %broadcast_in_dim3A_24 = vector.shape_cast %get3A_5 : vector<256xf32> to vector<1x256xf32>
    %add3A_25 = vector.broadcast %broadcast_in_dim3A_24 : vector<1x256xf32> to vector<1000x256xf32>
    %add3A_26 = arith.addf %mul3A_23, %add3A_25 : vector<1000x256xf32>
    %swap3A = arith.constant 0 : index
    %swap3A_27 = arith.constant 0 : index
    %swap3A_28 = vector.load %arg4[%swap3A, %swap3A_27] : memref<1000x256xf32, #tpu.memory_space<vmem>>, vector<1000x256xf32>
    tpu.vector_store %arg4[%swap3A, %swap3A_27], %add3A_26 {strides = array<i32>} : memref<1000x256xf32, #tpu.memory_space<vmem>>, vector<1000x256xf32>,
    return
  }
  func.func @transform_0(%arg0: i32) -> (i32, i32) {
    %c0_i32 = arith.constant 0 : i32
    %c0_i32_0 = arith.constant 0 : i32
    return %arg0, %c0_i32 : i32, i32
  }
  func.func @transform_1(%arg0: i32) -> i32 {
    %c0_i32 = arith.constant 0 : i32
    %c0_i32_0 = arith.constant 0 : i32
    return %c0_i32 : i32
  }
  func.func @transform_2(%arg0: i32) -> i32 {
    %c0_i32 = arith.constant 0 : i32
    %c0_i32_0 = arith.constant 0 : i32
    return %c0_i32 : i32
  }
  func.func @transform_3(%arg0: i32) -> (i32, i32) {
    %c0_i32 = arith.constant 0 : i32
    %c0_i32_0 = arith.constant 0 : i32
    return %arg0, %c0_i32 : i32, i32
  }
}

module attributes {stable_mosaic.version = 14 : i64} {
  func.func @_tail_body(%arg0: i32, %arg1: memref<1000x256xf32, #tpu.memory_space<vmem>>, %arg2: memref<1000x256xf32, #tpu.memory_space<vmem>>, %arg3: memref<1000x256xf32, #tpu.memory_space<vmem>>, %arg4: memref<256x256xf32, #tpu.memory_space<vmem>>, %arg5: memref<256xf32, #tpu.memory_space<vmem>>, %arg6: memref<256xf32, #tpu.memory_space<vmem>>, %arg7: memref<256xf32, #tpu.memory_space<vmem>>, %arg8: memref<256x1024xf32, #tpu.memory_space<vmem>>, %arg9: memref<1024xf32, #tpu.memory_space<vmem>>, %arg10: memref<1024x256xf32, #tpu.memory_space<vmem>>, %arg11: memref<256xf32, #tpu.memory_space<vmem>>, %arg12: memref<1000x256xf32, #tpu.memory_space<vmem>>) attributes {dimension_semantics = [#tpu.dimension_semantics<arbitrary>], iteration_bounds = array<i64: 10>, scalar_prefetch = 0 : i64, scratch_operands = 0 : i64, tpu.core_type = #tpu.core_type<tc>, window_params = [{transform_indices = @transform_0, window_bounds = array<i64: 1000, 256>}, {transform_indices = @transform_1, window_bounds = array<i64: 1000, 256>}, {transform_indices = @transform_2, window_bounds = array<i64: 1000, 256>}, {pipeline_mode = #tpu.pipeline_mode<synchronous>, transform_indices = @transform_3, window_bounds = array<i64: 256, 256>}, {pipeline_mode = #tpu.pipeline_mode<synchronous>, transform_indices = @transform_4, window_bounds = array<i64: 256>}, {pipeline_mode = #tpu.pipeline_mode<synchronous>, transform_indices = @transform_5, window_bounds = array<i64: 256>}, {pipeline_mode = #tpu.pipeline_mode<synchronous>, transform_indices = @transform_6, window_bounds = array<i64: 256>}, {pipeline_mode = #tpu.pipeline_mode<synchronous>, transform_indices = @transform_7, window_bounds = array<i64: 256, 1024>}, {pipeline_mode = #tpu.pipeline_mode<synchronous>, transform_indices = @transform_8, window_bounds = array<i64: 1024>}, {pipeline_mode = #tpu.pipeline_mode<synchronous>, transform_indices = @transform_9, window_bounds = array<i64: 1024, 256>}, {pipeline_mode = #tpu.pipeline_mode<synchronous>, transform_indices = @transform_10, window_bounds = array<i64: 256>}, {transform_indices = @transform_11, window_bounds = array<i64: 1000, 256>}]} {
    %get3A = arith.constant 0 : index
    %get3A_0 = arith.constant 0 : index
    %get3A_1 = vector.load %arg1[%get3A, %get3A_0] : memref<1000x256xf32, #tpu.memory_space<vmem>>, vector<1000x256xf32>
    %eq3A = arith.constant -1.000000e+09 : f32
    %eq3A_2 = vector.broadcast %eq3A : f32 to vector<1000x256xf32>
    %eq3A_3 = arith.cmpf oeq, %get3A_1, %eq3A_2 : vector<1000x256xf32>
    %jit3A = arith.constant 0.000000e+00 : f32
    %broadcast_in_dim3A = vector.broadcast %jit3A : f32 to vector<1000x256xf32>
    %select_n3A = arith.select %eq3A_3, %broadcast_in_dim3A, %get3A_1 : vector<1000x256xi1>, vector<1000x256xf32>
    %get3A_4 = arith.constant 0 : index
    %get3A_5 = arith.constant 0 : index
    %get3A_6 = vector.load %arg2[%get3A_4, %get3A_5] : memref<1000x256xf32, #tpu.memory_space<vmem>>, vector<1000x256xf32>
    %sub3A = arith.subf %select_n3A, %get3A_6 : vector<1000x256xf32>
    %get3A_7 = arith.constant 0 : index
    %get3A_8 = arith.constant 0 : index
    %get3A_9 = vector.load %arg4[%get3A_7, %get3A_8] : memref<256x256xf32, #tpu.memory_space<vmem>>, vector<256x256xf32>
    %dot_general3A = arith.constant dense<0.000000e+00> : vector<1000x256xf32>
    %dot_general3A_10 = tpu.matmul %sub3A, %get3A_9, %dot_general3A {dimension_numbers = #tpu.dot_dimension_numbers<[1], [0], [0], [1], [0, 0, 1, 1], [], []>, transpose_lhs_hint = false} : vector<1000x256xf32>, vector<256x256xf32>, vector<1000x256xf32> -> vector<1000x256xf32>
    %get3A_11 = arith.constant 0 : index
    %get3A_12 = vector.load %arg5[%get3A_11] : memref<256xf32, #tpu.memory_space<vmem>>, vector<256xf32>
    %broadcast_in_dim3A_13 = vector.shape_cast %get3A_12 : vector<256xf32> to vector<1x256xf32>
    %add3A = vector.broadcast %broadcast_in_dim3A_13 : vector<1x256xf32> to vector<1000x256xf32>
    %add3A_14 = arith.addf %dot_general3A_10, %add3A : vector<1000x256xf32>
    %mul3A = arith.constant 5.000000e-01 : f32
    %mul3A_15 = vector.broadcast %mul3A : f32 to vector<1000x256xf32>
    %mul3A_16 = arith.mulf %mul3A_15, %add3A_14 : vector<1000x256xf32>
    %mul3A_17 = arith.constant 0.707106769 : f32
    %mul3A_18 = vector.broadcast %mul3A_17 : f32 to vector<1000x256xf32>
    %mul3A_19 = arith.mulf %add3A_14, %mul3A_18 : vector<1000x256xf32>
    %erf3A = math.erf %mul3A_19 : vector<1000x256xf32>
    %add3A_20 = arith.constant 1.000000e+00 : f32
    %add3A_21 = vector.broadcast %add3A_20 : f32 to vector<1000x256xf32>
    %add3A_22 = arith.addf %add3A_21, %erf3A : vector<1000x256xf32>
    %mul3A_23 = arith.mulf %mul3A_16, %add3A_22 : vector<1000x256xf32>
    %get3A_24 = arith.constant 0 : index
    %get3A_25 = arith.constant 0 : index
    %get3A_26 = vector.load %arg3[%get3A_24, %get3A_25] : memref<1000x256xf32, #tpu.memory_space<vmem>>, vector<1000x256xf32>
    %add3A_27 = arith.addf %mul3A_23, %get3A_26 : vector<1000x256xf32>
    %get3A_28 = arith.constant 0 : index
    %get3A_29 = vector.load %arg6[%get3A_28] : memref<256xf32, #tpu.memory_space<vmem>>, vector<256xf32>
    %get3A_30 = arith.constant 0 : index
    %get3A_31 = vector.load %arg7[%get3A_30] : memref<256xf32, #tpu.memory_space<vmem>>, vector<256xf32>
    %reduce_sum3A = arith.constant dense<0.000000e+00> : vector<1000xf32>
    %reduce_sum3A_32 = vector.multi_reduction <add>, %add3A_27, %reduce_sum3A [1] : vector<1000x256xf32> to vector<1000xf32>
    %broadcast_in_dim3A_33 = vector.shape_cast %reduce_sum3A_32 : vector<1000xf32> to vector<1000x1xf32>
    %div3A = arith.constant 2.560000e+02 : f32
    %div3A_34 = vector.broadcast %div3A : f32 to vector<1000x1xf32>
    %div3A_35 = arith.divf %broadcast_in_dim3A_33, %div3A_34 : vector<1000x1xf32>
    %sub3A_36 = vector.broadcast %div3A_35 : vector<1000x1xf32> to vector<1000x256xf32>
    %sub3A_37 = arith.subf %add3A_27, %sub3A_36 : vector<1000x256xf32>
    %integer_pow3A = arith.mulf %sub3A_37, %sub3A_37 : vector<1000x256xf32>
    %reduce_sum3A_38 = arith.constant dense<0.000000e+00> : vector<1000xf32>
    %reduce_sum3A_39 = vector.multi_reduction <add>, %integer_pow3A, %reduce_sum3A_38 [1] : vector<1000x256xf32> to vector<1000xf32>
    %broadcast_in_dim3A_40 = vector.shape_cast %reduce_sum3A_39 : vector<1000xf32> to vector<1000x1xf32>
    %div3A_41 = arith.constant 2.560000e+02 : f32
    %div3A_42 = vector.broadcast %div3A_41 : f32 to vector<1000x1xf32>
    %div3A_43 = arith.divf %broadcast_in_dim3A_40, %div3A_42 : vector<1000x1xf32>
    %sub3A_44 = vector.broadcast %div3A_35 : vector<1000x1xf32> to vector<1000x256xf32>
    %sub3A_45 = arith.subf %add3A_27, %sub3A_44 : vector<1000x256xf32>
    %add3A_46 = arith.constant 9.99999974E-6 : f32
    %add3A_47 = vector.broadcast %add3A_46 : f32 to vector<1000x1xf32>
    %add3A_48 = arith.addf %div3A_43, %add3A_47 : vector<1000x1xf32>
    %rsqrt3A = math.rsqrt %add3A_48 : vector<1000x1xf32>
    %mul3A_49 = vector.broadcast %rsqrt3A : vector<1000x1xf32> to vector<1000x256xf32>
    %mul3A_50 = arith.mulf %sub3A_45, %mul3A_49 : vector<1000x256xf32>
    %broadcast_in_dim3A_51 = vector.shape_cast %get3A_29 : vector<256xf32> to vector<1x256xf32>
    %mul3A_52 = vector.broadcast %broadcast_in_dim3A_51 : vector<1x256xf32> to vector<1000x256xf32>
    %mul3A_53 = arith.mulf %mul3A_50, %mul3A_52 : vector<1000x256xf32>
    %broadcast_in_dim3A_54 = vector.shape_cast %get3A_31 : vector<256xf32> to vector<1x256xf32>
    %add3A_55 = vector.broadcast %broadcast_in_dim3A_54 : vector<1x256xf32> to vector<1000x256xf32>
    %add3A_56 = arith.addf %mul3A_53, %add3A_55 : vector<1000x256xf32>
    %get3A_57 = arith.constant 0 : index
    %get3A_58 = arith.constant 0 : index
    %get3A_59 = vector.load %arg8[%get3A_57, %get3A_58] : memref<256x1024xf32, #tpu.memory_space<vmem>>, vector<256x1024xf32>
    %dot_general3A_60 = arith.constant dense<0.000000e+00> : vector<1000x1024xf32>
    %dot_general3A_61 = tpu.matmul %add3A_56, %get3A_59, %dot_general3A_60 {dimension_numbers = #tpu.dot_dimension_numbers<[1], [0], [0], [1], [0, 0, 1, 1], [], []>, transpose_lhs_hint = false} : vector<1000x256xf32>, vector<256x1024xf32>, vector<1000x1024xf32> -> vector<1000x1024xf32>
    %get3A_62 = arith.constant 0 : index
    %get3A_63 = vector.load %arg9[%get3A_62] : memref<1024xf32, #tpu.memory_space<vmem>>, vector<1024xf32>
    %broadcast_in_dim3A_64 = vector.shape_cast %get3A_63 : vector<1024xf32> to vector<1x1024xf32>
    %add3A_65 = vector.broadcast %broadcast_in_dim3A_64 : vector<1x1024xf32> to vector<1000x1024xf32>
    %add3A_66 = arith.addf %dot_general3A_61, %add3A_65 : vector<1000x1024xf32>
    %mul3A_67 = arith.constant 5.000000e-01 : f32
    %mul3A_68 = vector.broadcast %mul3A_67 : f32 to vector<1000x1024xf32>
    %mul3A_69 = arith.mulf %mul3A_68, %add3A_66 : vector<1000x1024xf32>
    %mul3A_70 = arith.constant 0.707106769 : f32
    %mul3A_71 = vector.broadcast %mul3A_70 : f32 to vector<1000x1024xf32>
    %mul3A_72 = arith.mulf %add3A_66, %mul3A_71 : vector<1000x1024xf32>
    %erf3A_73 = math.erf %mul3A_72 : vector<1000x1024xf32>
    %add3A_74 = arith.constant 1.000000e+00 : f32
    %add3A_75 = vector.broadcast %add3A_74 : f32 to vector<1000x1024xf32>
    %add3A_76 = arith.addf %add3A_75, %erf3A_73 : vector<1000x1024xf32>
    %mul3A_77 = arith.mulf %mul3A_69, %add3A_76 : vector<1000x1024xf32>
    %get3A_78 = arith.constant 0 : index
    %get3A_79 = arith.constant 0 : index
    %get3A_80 = vector.load %arg10[%get3A_78, %get3A_79] : memref<1024x256xf32, #tpu.memory_space<vmem>>, vector<1024x256xf32>
    %dot_general3A_81 = arith.constant dense<0.000000e+00> : vector<1000x256xf32>
    %dot_general3A_82 = tpu.matmul %mul3A_77, %get3A_80, %dot_general3A_81 {dimension_numbers = #tpu.dot_dimension_numbers<[1], [0], [0], [1], [0, 0, 1, 1], [], []>, transpose_lhs_hint = false} : vector<1000x1024xf32>, vector<1024x256xf32>, vector<1000x256xf32> -> vector<1000x256xf32>
    %get3A_83 = arith.constant 0 : index
    %get3A_84 = vector.load %arg11[%get3A_83] : memref<256xf32, #tpu.memory_space<vmem>>, vector<256xf32>
    %broadcast_in_dim3A_85 = vector.shape_cast %get3A_84 : vector<256xf32> to vector<1x256xf32>
    %add3A_86 = vector.broadcast %broadcast_in_dim3A_85 : vector<1x256xf32> to vector<1000x256xf32>
    %add3A_87 = arith.addf %dot_general3A_82, %add3A_86 : vector<1000x256xf32>
    %add3A_88 = arith.addf %add3A_87, %add3A_27 : vector<1000x256xf32>
    %swap3A = arith.constant 0 : index
    %swap3A_89 = arith.constant 0 : index
    %swap3A_90 = vector.load %arg12[%swap3A, %swap3A_89] : memref<1000x256xf32, #tpu.memory_space<vmem>>, vector<1000x256xf32>
    tpu.vector_store %arg12[%swap3A, %swap3A_89], %add3A_88 {strides = array<i32>} : memref<1000x256xf32, #tpu.memory_space<vmem>>, vector<1000x256xf32>,
    return
  }
  func.func @transform_0(%arg0: i32) -> (i32, i32) {
    %c0_i32 = arith.constant 0 : i32
    %c0_i32_0 = arith.constant 0 : i32
    return %arg0, %c0_i32 : i32, i32
  }
  func.func @transform_1(%arg0: i32) -> (i32, i32) {
    %c0_i32 = arith.constant 0 : i32
    %c0_i32_0 = arith.constant 0 : i32
    return %arg0, %c0_i32 : i32, i32
  }
  func.func @transform_2(%arg0: i32) -> (i32, i32) {
    %c0_i32 = arith.constant 0 : i32
    %c0_i32_0 = arith.constant 0 : i32
    return %arg0, %c0_i32 : i32, i32
  }
  func.func @transform_3(%arg0: i32) -> (i32, i32) {
    %c0_i32 = arith.constant 0 : i32
    %c0_i32_0 = arith.constant 0 : i32
    %c0_i32_1 = arith.constant 0 : i32
    return %c0_i32, %c0_i32_0 : i32, i32
  }
  func.func @transform_4(%arg0: i32) -> i32 {
    %c0_i32 = arith.constant 0 : i32
    %c0_i32_0 = arith.constant 0 : i32
    return %c0_i32 : i32
  }
  func.func @transform_5(%arg0: i32) -> i32 {
    %c0_i32 = arith.constant 0 : i32
    %c0_i32_0 = arith.constant 0 : i32
    return %c0_i32 : i32
  }
  func.func @transform_6(%arg0: i32) -> i32 {
    %c0_i32 = arith.constant 0 : i32
    %c0_i32_0 = arith.constant 0 : i32
    return %c0_i32 : i32
  }
  func.func @transform_7(%arg0: i32) -> (i32, i32) {
    %c0_i32 = arith.constant 0 : i32
    %c0_i32_0 = arith.constant 0 : i32
    %c0_i32_1 = arith.constant 0 : i32
    return %c0_i32, %c0_i32_0 : i32, i32
  }
  func.func @transform_8(%arg0: i32) -> i32 {
    %c0_i32 = arith.constant 0 : i32
    %c0_i32_0 = arith.constant 0 : i32
    return %c0_i32 : i32
  }
  func.func @transform_9(%arg0: i32) -> (i32, i32) {
    %c0_i32 = arith.constant 0 : i32
    %c0_i32_0 = arith.constant 0 : i32
    %c0_i32_1 = arith.constant 0 : i32
    return %c0_i32, %c0_i32_0 : i32, i32
  }
  func.func @transform_10(%arg0: i32) -> i32 {
    %c0_i32 = arith.constant 0 : i32
    %c0_i32_0 = arith.constant 0 : i32
    return %c0_i32 : i32
  }
  func.func @transform_11(%arg0: i32) -> (i32, i32) {
    %c0_i32 = arith.constant 0 : i32
    %c0_i32_0 = arith.constant 0 : i32
    return %arg0, %c0_i32 : i32, i32
  }
}

</mosaic_0001>

<sc_bundles>
// kernel: gather_offload_async_start
scs
__scs_entry_jumppad:
0x0: {  	(pc) =	sbr.rel $0x88, $3  }
0x1: {  	(tag) =	ssettag $0x0;
	lr =	simm.s32 $0x1  }
0x2: {  	[smem:$0x3F95] =	sst lr;
	_ =	strace $0xD0000000  }
0x3: {  	_ = 	snop  }
0x4: {  	_ = 	snop  }
0x5: {  	_ = 	snop  }
0x6: {  	_ = 	snop  }
0x7: {  	_ = 	snop  }
__scs_overlays_trampoline_lowered:
0x8: {  	[smem:$0x3FA4] =	sst s0  }
0x9: {  	[smem:$0x3FA5] =	sst s1  }
0xa: {  	[smem:$0x3FA6] =	sst s2  }
0xb: {  	[smem:$0x3FA7] =	sst s3  }
0xc: {  	[smem:$0x3FA8] =	sst s4  }
0xd: {  	[smem:$0x3FA9] =	sst s5  }
0xe: {  	[smem:$0x3FAA] =	sst s6  }
0xf: {  	[smem:$0x3FAB] =	sst s7  }
0x10: {  	[smem:$0x3FAC] =	sst s8  }
0x11: {  	[smem:$0x3FAD] =	sst s9;
	s0 =	simm.s32 @!p0 $0x0  }
0x12: {  	s1 =	sld [smem:$0x3F93];
	s0 =	simm.s32 @p0 $0x1  }
0x13: {  	[smem:$0x3FAE] =	sst s0;
	s0 =	simm.s32 @!p1 $0x0  }
0x14: {  	s2 =	sld [smem:$0x3F92];
	s0 =	simm.s32 @p1 $0x1  }
0x15: {  	[smem:$0x3FAF] =	sst s0;
	s0 =	simm.s32 @!p2 $0x0  }
0x16: {  	s3 =	sld [smem:$0x3FDB];
	s0 =	simm.s32 @p2 $0x1  }
0x17: {  	s4 =	simm.s32 $0x1BF5;
	[smem:$0x3FB1] =	sst s0  }
0x18: {  	s0 =	sld [smem:$0x3F94];
	_ =	swait.ge [sflag:s4], $0x0  }
0x19: {  	s7 =	sld [smem:$0x3F95]  }
0x1a: {  	s8 =	sadd.s32 $0xFFFFE003, lr  }
0x1b: {  	s9 =	sadd.s32 $0xFFFFFEF7, lr;
	s5 =	simm.s32 $0xFFFFFFFF;
	p2 =	slt.u32 s8, $0xFFFFF086  }
0x1c: {  	p1 =	slt.u32 s9, $0xF7A;
	s5 =	simm.s32 @!p2 $0x0  }
0x1d: {  	s5 =	simm.s32 @p1 $0x1;
	p0 =	seq.s32 s7, s2  }
0x1e: {  	s7 =	smul.u32 @!p0 $0xF7A, s2;
	p2 =	seq.s32 @!p0 s5, $0x0  }
0x1f: {  	s9 =	smul.u32 $0xF7A, s1;
	s8 =	simm.s32 @!p0 $0x1BF5;
	p2 =	por !p2, p0  }
0x20: {  	[sflag:s8] =	ssyncset.s32 @!p0 $0xFFFFF086;
	s6 =	sadd.s32 @!p0 s3, s7;
	s7 =	simm.s32 @!p0 $0x108  }
0x21: {  	s3 =	sadd.s32 s3, s9;
	s6 =	sadd.s32 @!p0 $0x88, s6;
	s7 =	simm.s32 @p2 $0x1082  }
0x22: {  	[simem:s7], [sflag:s8] =	dma.local @!p0 [hbm:s6], $0xF7A  }
0x23: {  	s9 =	sor.u32 $0xD0000000, s2;
	s6 =	simm.s32 $0x108;
	_ =	swait.ge @!p0 [sflag:s8], $0x0  }
0x24: {  	s3 =	sadd.s32 $0x88, s3;
	s6 =	simm.s32 @!p1 $0x1082;
	[sflag:s4] =	ssyncset.s32 $0xFFFFF086  }
0x25: {  	[simem:s6], [sflag:s4] =	dma.local [hbm:s3], $0xF7A  }
0x26: {  	[smem:$0x3F95] =	sst s1;
	(tag) =	ssettag s2;
	_ =	strace s9  }
0x27: {  	s1 =	sld [smem:$0x3FA5]  }
0x28: {  	s2 =	sld [smem:$0x3FA6]  }
0x29: {  	s4 =	sld [smem:$0x3FA8]  }
0x2a: {  	p0 =	seq.s32 s5, $0x0;
	s5 =	sld [smem:$0x3FA9]  }
0x2b: {  	s6 =	sld [smem:$0x3FAA]  }
0x2c: {  	s7 =	sld [smem:$0x3FAB]  }
0x2d: {  	s3 =	simm.s32 $0x108;
	s8 =	sld [smem:$0x3FAC]  }
0x2e: {  	s3 =	simm.s32 @!p0 $0x1082;
	s9 =	sld [smem:$0x3FAD]  }
0x2f: {  	lr =	sadd.s32 s0, s3;
	s0 =	sld [smem:$0x3FA4]  }
0x30: {  	s3 =	sld [smem:$0x3FA7]  }
0x31: {  	[smem:$0x3FB0] =	sst s10  }
0x32: {  	s10 =	sld [smem:$0x3FAE];
	_ =	sdelay $0x3  }
0x33: {  	p0 =	seq.s32 s10, $0x1;
	s10 =	sld [smem:$0x3FB0];
	_ =	sdelay $0x3  }
0x34: {  	[smem:$0x3FB0] =	sst s10  }
0x35: {  	s10 =	sld [smem:$0x3FAF];
	_ =	sdelay $0x3  }
0x36: {  	p1 =	seq.s32 s10, $0x1;
	s10 =	sld [smem:$0x3FB0];
	_ =	sdelay $0x3  }
0x37: {  	[smem:$0x3FB0] =	sst s10  }
0x38: {  	s10 =	sld [smem:$0x3FB1]  }
0x39: {  	_ = 	snop;
	(pc) =	sbr.ind lr, $3  }
0x3a: {  	_ = 	snop  }
0x3b: {  	_ = 	snop  }
0x3c: {  	p2 =	seq.s32 s10, $0x1;
	s10 =	sld [smem:$0x3FB0]  }
0x3d: {  	_ =	shalt  }
0x3e: {  	_ =	shalt  }
0x3f: {  	_ =	shalt  }
0x40: {  	_ =	shalt  }
0x41: {  	_ =	shalt  }
0x42: {  	_ =	shalt  }
0x43: {  	_ =	shalt  }
0x44: {  	_ =	shalt  }
0x45: {  	_ =	shalt  }
0x46: {  	_ =	shalt  }
0x47: {  	_ =	shalt  }
0x48: {  	_ =	shalt  }
0x49: {  	_ =	shalt  }
0x4a: {  	_ =	shalt  }
0x4b: {  	_ =	shalt  }
0x4c: {  	_ =	shalt  }
0x4d: {  	_ =	shalt  }
0x4e: {  	_ =	shalt  }
0x4f: {  	_ =	shalt  }
0x50: {  	_ =	shalt  }
0x51: {  	_ =	shalt  }
0x52: {  	_ =	shalt  }
0x53: {  	_ =	shalt  }
0x54: {  	_ =	shalt  }
0x55: {  	_ =	shalt  }
0x56: {  	_ =	shalt  }
0x57: {  	_ =	shalt  }
0x58: {  	_ =	shalt  }
0x59: {  	_ =	shalt  }
0x5a: {  	_ =	shalt  }
0x5b: {  	_ =	shalt  }
0x5c: {  	_ =	shalt  }
0x5d: {  	_ =	shalt  }
0x5e: {  	_ =	shalt  }
0x5f: {  	_ =	shalt  }
0x60: {  	_ =	shalt  }
0x61: {  	_ =	shalt  }
0x62: {  	_ =	shalt  }
0x63: {  	_ =	shalt  }
0x64: {  	_ =	shalt  }
0x65: {  	_ =	shalt  }
0x66: {  	_ =	shalt  }
0x67: {  	_ =	shalt  }
0x68: {  	_ =	shalt  }
0x69: {  	_ =	shalt  }
0x6a: {  	_ =	shalt  }
0x6b: {  	_ =	shalt  }
0x6c: {  	_ =	shalt  }
0x6d: {  	_ =	shalt  }
0x6e: {  	_ =	shalt  }
0x6f: {  	_ =	shalt  }
0x70: {  	_ =	shalt  }
0x71: {  	_ =	shalt  }
0x72: {  	_ =	shalt  }
0x73: {  	_ =	shalt  }
0x74: {  	_ =	shalt  }
0x75: {  	_ =	shalt  }
0x76: {  	_ =	shalt  }
0x77: {  	_ =	shalt  }
0x78: {  	_ =	shalt  }
0x79: {  	_ =	shalt  }
0x7a: {  	_ =	shalt  }
0x7b: {  	_ =	shalt  }
0x7c: {  	_ =	shalt  }
0x7d: {  	_ =	shalt  }
0x7e: {  	_ =	shalt  }
0x7f: {  	_ =	shalt  }
0x80: {  	_ =	shalt  }
0x81: {  	_ =	shalt  }
0x82: {  	_ =	shalt  }
0x83: {  	_ =	shalt  }
0x84: {  	_ =	shalt  }
0x85: {  	_ =	shalt  }
0x86: {  	_ =	shalt  }
0x87: {  	_ =	shalt  }
.Lfunc_end0:
.L_simem_size_0:
called_computation_lowered:
.L_overlay_start_0:
0x88: {  	s2 =	sld [smem:$0x3FD9]  }
0x89: {  	s3 =	sld [smem:$0x3FFE];
	_ =	sdelay $0x1  }
0x8a: {  	s1 =	srdreg.scid  }
0x8b: {  	s0 =	sand.u32 $0x1, s1  }
0x8c: {  	s16 =	sshll.u32 s0, $0xA;
	s2 =	sadd.s32 s3, s2  }
0x8d: {  	s2 =	sadd.s32 s2, s16  }
0x8e: {  	[smem:$0x3FBC] =	sst s2  }
0x8f: {  	_ = 	snop  }
0x90: {  	(tm) =	ssettm $0x1  }
0x91: {  	s17 =	sld [smem:$0x3FFB];
	_ =	sdelay $0x3  }
0x92: {  	_ =	strace s17  }
0x93: {  	s2 =	sld [smem:$0x3FFC];
	_ =	sdelay $0x3  }
0x94: {  	_ =	strace s2  }
0x95: {  	s2 =	sld [smem:$0x3FFD];
	_ =	sdelay $0x3  }
0x96: {  	_ =	strace s2  }
0x97: {  	_ =	strace $0x8FFFFFFF  }
0x98: {  	s18 =	sld [smem:$0x3FDB];
	_ =	sdelay $0x1  }
0x99: {  	s19 =	simm.s32 $_scs_section_size  }
0x9a: {  	s4 =	simm.s32 $_size__tile_overlayer_lowered;
	s5 =	simm.s32 $_tile_overlayer_lowered  }
0x9b: {  	s22 =	simm.s32 $0x1BFF;
	s21 =	sshll.u32 s5, $0x1;
	s2 =	sadd.s32 s19, s18  }
0x9c: {  	s6 =	simm.s32 $0x0;
	s20 =	sshll.u32 s4, $0x1;
	s4 =	sadd.s32 s21, s2  }
0x9d: {  	[timem:s6], [sflag:s22] =	dma.local [hbm:s4], s20  }
0x9e: {  	_ =	swait.ge [sflag:s22], s20  }
0x9f: {  	s3 =	ssub.s32 $0x0, s20;
	[sflag:s22] =	ssyncset.done $0x0  }
0xa0: {  	[sflag:s22] =	ssyncadd.s32 s3;
	_ =	sdelay $0x1  }
0xa1: {  	s23 =	simm.s32 $0x1B8B  }
0xa2: {  	_ =	swait.ge [sflag:s23], $0x1  }
0xa3: {  	[sflag:s23] =	ssyncset.done $0x0  }
0xa4: {  	s25 =	simm.s32 $0x1B8E;
	s24 =	sld [smem:$0x3FFE];
	[sflag:s23] =	ssyncadd.s32 $0xFFFFFFFF  }
0xa5: {  	s26 =	simm.s32 $execute0_lowered;
	[smem:$0x3FD2] =	sst s25  }
0xa6: {  	s4 =	sshll.u32 s26, $0x1;
	_ =	strace $0x80000046;
	[dreg:$0x1] =	wrdreg $0xFFFFFFFF  }
0xa7: {  	s28 =	simm.s32 $_size_execute0_lowered;
	s2 =	sadd.s32 s2, s4;
	[dreg:$0x0] =	wrdreg $0x0  }
0xa8: {  	s4 =	sshll.u32 s28, $0x1;
	[dreg:$0x2] =	wrdreg s2  }
0xa9: {  	[dreg:$0x3] =	wrdreg s4  }
0xaa: {  	[dreg:$0x4] =	wrdreg $0xC0  }
0xab: {  	_ =	task [dreg:s6], $0x5FFFF  }
0xac: {  	[dreg:$0x1] =	wrdreg $0xFFFFFFFF  }
0xad: {  	[dreg:$0x0] =	wrdreg $0x60  }
0xae: {  	[dreg:$0x2] =	wrdreg s24  }
0xaf: {  	[dreg:$0x3] =	wrdreg $0x9  }
0xb0: {  	_ =	task.clear_ibuf [dreg:s6], $0x4FFFF;
	_ =	strace $0x90000046  }
0xb1: {  	s29 =	simm.s32 $0x9;
	_ =	strace $0x80000048  }
0xb2: {  	_ =	swait.ge [sflag:s29], $0x1  }
0xb3: {  	[sflag:s29] =	ssyncadd.s32 $0xFFFFFFFF  }
0xb4: {  	_ =	strace $0x90000048  }
0xb5: {  	_ =	sfence  }
0xb6: {  	s30 =	sld [smem:$0x0];
	_ =	sdelay $0x2  }
0xb7: {  	s31 =	sshll.u32 s1, $0xD;
	s1 =	sshrl.u32 s1, $0x2  }
0xb8: {  	s3 =	sand.u32 $0x4000, s31;
	s1 =	sadd.s32 s1, s30  }
0xb9: {  	s0 =	sor.u32 s3, s0;
	s1 =	sshll.u32 s1, $0x11  }
0xba: {  	s0 =	sor.u32 s1, s0  }
0xbb: {  	s0 =	sadd.s32 $0x8F2B, s0  }
0xbc: {  	[sflag:s0] =	ssyncadd.remote.s32 $0x1  }
0xbd: {  	_ =	sfence.sel $0xFFFF  }
0xbe: {  	[dreg:$0x0] =	wrdreg $0xFFFFFFFF;
	(pc) =	sbr.abs _section_cstart, $3  }
0xbf: {  	[dreg:$0x1] =	wrdreg $0xFFFFFFFF  }
0xc0: {  	_ =	task.clear_ibuf [dreg:s6], $0x2FFFF;
	_ =	strace $0x9FFFFFFF  }
0xc1: {  	(tm) =	ssettm $0x7FFFFFFF  }
tec
execute0_lowered:
.L_overlay_start_1:
0x0: {  	(tag) =	ssettag $0x1  }
0x1: {  	s8 =	rddreg [dreg:$0x0]  }
0x2: {  	s0 =	rddreg [dreg:$0x1];
	_ =	strace $0x80000047;
	s1 =	stileid.u32  }
0x3: {  	s3 =	srdreg.scid;
	s4 =	simm.s32 $0x1;
	s7 =	simm.s32 $0x1  }
0x4: {  	s9 =	simm.s32 $0x1;
	s10 =	simm.s32 $0x3;
	s13 =	simm.s32 $0x0  }
0x5: {  	s12 =	simm.s32 $0x0;
	s5 =	sand.u32 $0x1, s3;
	s6 =	sshll.u32 s1, $0x1  }
0x6: {  	s2 =	sadd.s32 $0xF000, s8;
	s3 =	sadd.s32 $0xAB400, s8;
	s5 =	sor.u32 s6, s5  }
.Ltmp0:
0x7: {  	[sflag:s4] =	ssyncpa.u1 $0x0;
	p0 =	slt.u32 s5, $0x9;
	(pc) =	sbr.rel .LBB2_1-.Ltmp0, $4  }
0x8: {  	s6 =	simm.s32 $0x2;
	s7 =	simm.s32 @!p0 $0x0;
	p0 =	sne.s32 s5, $0x8  }
0x9: {  	[sflag:s6] =	ssyncpa.u1 $0x0;
	s5 =	smul.u32 $0xFA0, s5;
	s9 =	simm.s32 @!p0 $0x0  }
0xa: {  	s8 =	sadd.s32 $0xB5600, s8;
	[sflag:s10] =	ssyncpa.u1 $0x0;
	s7 =	sadd.s32 s9, s7  }
0xb: {  	vm0 =	vmmov $0xffff;
	s10 =	simm.s32 $0x0;
	s11 =	smov.u32 s5;
	s9 =	sadd.s32 $0x1, s7  }
.LBB2_4:
0xc: {  	vm2 =	veq.s32 v2, $0x80000000;
	v4 =	vand.u32 $0x1F, v4;
	v5 =	vor.u32 v6, v5  }
0xd: {  	v1 =	vand.u32 $0x3FFFF, v1;
	v7 =	vshrl.u32 v2, $0x12;
	v56 =	vand.u32 $0x3FFFF, v2  }
0xe: {  	v4 =	vsel vm1, $0xFFFFFFFF, v4;
	v3 =	vor.u32 v3, v5;
	v1 =	vsel vm1, $0xFFFFFFFF, v1  }
0xf: {  	vm1 =	vmmov vm2;
	v7 =	vand.u32 $0x1F, v7;
	v54 =	vshrl.u32 v4, $0x3  }
0x10: {  	v4 =	vshll.u32 v4, $0x7;
	v55 =	vshll.u32 v1, $0x3;
	v57 =	vsel vm1, $0xFFFFFFFF, v7  }
0x11: {  	v2 =	vsel vm1, $0xFFFFFFFF, v56;
	v1 =	vand.u32 $0x7F, v1;
	v5 =	vmul.u32 $0x138800, v54  }
0x12: {  	v6 =	vand.u32 $0xFFFFFC00, v55;
	v4 =	vand.u32 $0x380, v4;
	v7 =	vshrl.u32 v57, $0x3  }
0x13: {  	v59 =	vshll.u32 v2, $0x3;
	v58 =	vmul.u32 $0x138800, v7;
	v5 =	vadd.s32 v6, v5  }
0x14: {  	v7 =	vand.u32 $0xFFFFFC00, v59;
	v6 =	vshll.u32 v57, $0x7;
	v4 =	vor.u32 v4, v5  }
0x15: {  	v60 =	vadd.s32 v7, v58;
	v61 =	vand.u32 $0x380, v6;
	v1 =	vor.u32 v1, v4  }
0x16: {  	[tilespmem:s16], [sflag:$0x1] =	stream.indirect_vreg.gather [hbm4b:s2+s10], $0x1, v0, vm0, $0x4038;
	v62 =	vand.u32 $0x7F, v2;
	v63 =	vor.u32 v61, v60;
	[tilespmem:$0x3E80] =	vst v63  }
0x17: {  	(ifvalue) =	ssetifvalue $0x7FFFFFFF;
	v0 =	vor.u32 v62, v63  }
0x18: {  	[tilespmem:s15], [sflag:$0x1] =	stream.indirect_vreg.gather [hbm4b:s2+s10], $0x1, v3, vm0, $0x4038;
	[tilespmem:$0x3E80] =	vst v63  }
0x19: {  	s29 =	sadd.s32 $0x10, s15;
	(ifvalue) =	ssetifvalue $0x7FFFFFFF  }
0x1a: {  	[tilespmem:s29], [sflag:$0x1] =	stream.indirect_vreg.gather [hbm4b:s2+s10], $0x1, v1, vm0, $0x4038;
	[tilespmem:$0x3E80] =	vst v63  }
0x1b: {  	s15 =	sadd.s32 $0x10, s29;
	(ifvalue) =	ssetifvalue $0x7FFFFFFF  }
0x1c: {  	[tilespmem:s15], [sflag:$0x1] =	stream.indirect_vreg.gather [hbm4b:s2+s10], $0x1, v0, vm0, $0x4038;
	[tilespmem:$0x3E80] =	vst v63  }
0x1d: {  	_ =	swait.ge [sflag:s4], $0xFA0  }
0x1e: {  	s30 =	sshrl.u32 s13, $0x3;
	[sflag:s4] =	ssyncset.done $0x0  }
0x1f: {  	s31 =	sand.u32 $0x7, s13;
	s15 =	sadd.s32 s8, s30;
	[sflag:s4] =	ssyncadd.s32 $0xFFFFF060  }
0x20: {  	[hbm4b:s15+s31] =	stream.linear.scatter [tilespmem:s14], [sflag:$0x3], $0xFA0, $0x38;
	[tilespmem:$0x3E80] =	vst v63  }
.LBB2_5:
0x21: {  	s15 =	sadd.s32 $0x1F400, s11  }
0x22: {  	p1 =	sgt.s32 s15, $0x270FF  }
0x23: {  	s15 =	smov.u32 @p1 s5;
	p1 =	sne.s32 s12, s9  }
.Ltmp1:
0x24: {  	p0 =	slt.u32 s12, $0x2;
	(pc) =	sbr.rel @!p1 .LBB2_6-.Ltmp1, $4  }
0x25: {  	s14 =	simm.s32 @!p0 $0x3  }
0x26: {  	_ =	swait.ge @!p0 [sflag:s14], $0xFA0  }
0x27: {  	s16 =	sadd.s32 $0x1, s12;
	s13 =	smov.u32 s11;
	[sflag:s14] =	ssyncset.done @!p0 $0x0  }
0x28: {  	s12 =	smov.u32 s16;
	s11 =	smov.u32 s15;
	[sflag:s14] =	ssyncadd.s32 @!p0 $0xFFFFF060  }
.LBB2_1:
0x29: {  	p0 =	sge.u32 s12, s7  }
0x2a: {  	s14 =	sxor.u32 @!p0 $0x1, s12  }
0x2b: {  	s14 =	smul.u32 @!p0 $0x3E80, s14  }
0x2c: {  	s31 =	sadd.s32 $0xFFFFFFFF, s12;
	s15 =	sshrl.u32 @!p0 s11, $0x3  }
0x2d: {  	s16 =	sand.u32 @!p0 $0x7, s11;
	s15 =	sadd.s32 @!p0 s3, s15;
	s14 =	sshra.s32 @!p0 s14, $0x2  }
0x2e: {  	[tilespmem:s14], [sflag:$0x2] =	stream.linear.gather @!p0 [hbm4b:s15+s16], $0xFA0, $0x38;
	[tilespmem:$0x3E80] =	vst v63  }
0x2f: {  	p0 =	sge.u32 s31, s7  }
.Ltmp2:
0x30: {  	_ = 	snop;
	(pc) =	sbr.rel @p0 .LBB2_5-.Ltmp2, $1  }
0x31: {  	_ =	sdelay $0x3  }
0x32: {  	s14 =	sand.u32 $0x1, s12  }
0x33: {  	_ =	swait.ge [sflag:s6], $0xFA0;
	p0 =	seq.s32 s14, $0x1;
	s14 =	simm.s32 $0xFA0  }
0x34: {  	[sflag:s6] =	ssyncset.done $0x0;
	s14 =	simm.s32 @!p0 $0x0  }
0x35: {  	[sflag:s6] =	ssyncadd.s32 $0xFFFFF060;
	(ifvalue) =	ssetifvalue $0x7FFFFFFF;
	v0 =	vld.msk [tilespmem:s14+$0x0 ss:$0x1], $0xffff;
	_ =	sdelay $0x2  }
0x36: {  	s15 =	sadd.s32 $0x10, s14  }
0x37: {  	v2 =	vld.msk [tilespmem:s15+$0x0 ss:$0x1], $0xffff  }
0x38: {  	vm1 =	veq.s32 v0, $0x80000000;
	v1 =	vshrl.u32 v0, $0x12  }
0x39: {  	vm1 =	vmmov vm1;
	v3 =	vand.u32 $0x1F, v1  }
0x3a: {  	v0 =	vand.u32 $0x3FFFF, v0;
	v3 =	vsel vm1, $0xFFFFFFFF, v3  }
0x3b: {  	s15 =	sadd.s32 $0x10, s15;
	v0 =	vsel vm1, $0xFFFFFFFF, v0;
	v4 =	vshrl.u32 v3, $0x3  }
0x3c: {  	v1 =	vld.msk [tilespmem:s15+$0x0 ss:$0x1], $0xffff;
	v6 =	vshrl.u32 v2, $0x12;
	v5 =	vshll.u32 v0, $0x3;
	v4 =	vmul.u32 $0x138800, v4  }
0x3d: {  	vm1 =	veq.s32 v2, $0x80000000;
	v3 =	vshll.u32 v3, $0x7;
	v5 =	vand.u32 $0xFFFFFC00, v5  }
0x3e: {  	v0 =	vand.u32 $0x7F, v0;
	v3 =	vand.u32 $0x380, v3;
	v4 =	vadd.s32 v5, v4  }
0x3f: {  	vm1 =	vmmov vm1;
	v5 =	vand.u32 $0x1F, v6;
	v3 =	vor.u32 v3, v4  }
0x40: {  	v2 =	vand.u32 $0x3FFFF, v2;
	v4 =	vsel vm1, $0xFFFFFFFF, v5;
	v0 =	vor.u32 v0, v3  }
0x41: {  	s15 =	sadd.s32 $0x10, s15;
	vm2 =	veq.s32 v1, $0x80000000;
	v3 =	vsel vm1, $0xFFFFFFFF, v2;
	v2 =	vshrl.u32 v4, $0x3  }
0x42: {  	s14 =	sadd.s32 $0x1F40, s14;
	v6 =	vshll.u32 v4, $0x7;
	v5 =	vmul.u32 $0x138800, v2;
	v4 =	vshll.u32 v3, $0x3;
	v2 =	vld.msk [tilespmem:s15+$0x0 ss:$0x1], $0xffff  }
0x43: {  	s17 =	simm.s32 $0x30;
	s16 =	smov.u32 s14;
	vm1 =	vmmov vm2;
	v3 =	vand.u32 $0x7F, v3;
	v7 =	vand.u32 $0xFFFFFC00, v4  }
0x44: {  	s18 =	sadd.s32 $0x10, s15;
	v6 =	vand.u32 $0x380, v6;
	(ifvalue) =	ssetifvalue $0x7FFFFFFF;
	s15 =	sadd.s32 $0x10, s14;
	v4 =	vshrl.u32 v1, $0x12;
	v5 =	vadd.s32 v7, v5  }
.LBB2_3:
0x45: {  	[tilespmem:s16], [sflag:$0x1] =	stream.indirect_vreg.gather [hbm4b:s2+s10], $0x1, v0, vm0, $0x4038;
	[tilespmem:$0x3E80] =	vst v63  }
0x46: {  	s17 =	sadd.s32 $0x10, s17  }
0x47: {  	vm2 =	veq.s32 v2, $0x80000000;
	v4 =	vand.u32 $0x1F, v4;
	v5 =	vor.u32 v6, v5;
	v6 =	vmovc v2;
	v2 =	vld.msk [tilespmem:s18+$0x0 ss:$0x1], $0xffff;
	p0 =	slt.u32 s17, $0xF90  }
.Ltmp3:
0x48: {  	v7 =	vand.u32 $0x3FFFF, v1;
	s16 =	smov.u32 s15;
	v4 =	vsel vm1, $0xFFFFFFFF, v4;
	v0 =	vor.u32 v3, v5;
	v1 =	vmovc v6;
	(pc) =	sbr.rel @p0 .LBB2_3-.Ltmp3, $4  }
0x49: {  	v5 =	vsel vm1, $0xFFFFFFFF, v7;
	v6 =	vshrl.u32 v4, $0x3;
	v7 =	vshll.u32 v4, $0x7  }
0x4a: {  	v3 =	vand.u32 $0x7F, v5;
	v4 =	vshll.u32 v5, $0x3;
	v6 =	vmul.u32 $0x138800, v6  }
0x4b: {  	vm1 =	vmmov vm2;
	v5 =	vand.u32 $0xFFFFFC00, v4  }
0x4c: {  	s18 =	sadd.s32 $0x10, s18;
	s15 =	sadd.s32 $0x10, s15;
	v4 =	vshrl.u32 v1, $0x12;
	v5 =	vadd.s32 v5, v6;
	v6 =	vand.u32 $0x380, v7;
	(ifvalue) =	ssetifvalue $0x7FFFFFFF  }
.Ltmp4:
0x4d: {  	_ = 	snop;
	(pc) =	sbr.rel .LBB2_4-.Ltmp4, $1  }
0x4e: {  	_ =	sdelay $0x3  }
.LBB2_6:
0x4f: {  	_ =	sfence.sel $0x180000  }
0x50: {  	s2 =	simm.s32 $0x2;
	[bflag:$0x0] =	sbarrier.arrive $0xFFFF  }
0x51: {  	s30 =	simm.s32 $0x3;
	[sflag:s2] =	ssyncpa.u1 $0x1  }
0x52: {  	s31 =	simm.s32 $0x1;
	[sflag:s30] =	ssyncpa.u1 $0x1  }
0x53: {  	[sflag:s31] =	ssyncpa.u1 $0x1  }
0x54: {  	p0 =	sne.s32 s1, $0x0;
	_ =	strace $0x90000047  }
0x55: {  	s0 =	sadd.s32 @!p0 $0x100000, s0;
	[bflag:$0x2] =	sbarrier.arrive $0xFFFF  }
0x56: {  	[sflag:s0] =	ssyncadd.tile.s32 @!p0 $0x1;
	_ =	shalt  }
.Lfunc_end2:
_tile_overlayer_lowered:
.L_overlay_start_2:
0x57: {  	(tag) =	ssettag $0x2  }
0x58: {  	s0 =	rddreg [dreg:$0x0];
	s2 =	stileid.u32  }
0x59: {  	s1 =	rddreg [dreg:$0x1];
	p0 =	sne.s32 s2, $0x0  }
0x5a: {  	s3 =	rddreg [dreg:$0x2];
	[bflag:$0x3] =	sbarrier.arrive $0xFFFF;
	s2 =	simm.s32 @!p0 $0x1C01  }
0x5b: {  	[timem:s3], [sflag:s2] =	dma.local @!p0 [hbm:s0], s1  }
0x5c: {  	s0 =	simm.s32 @!p0 $0x1  }
0x5d: {  	_ =	swait.ge @!p0 [sflag:s0], s1  }
0x5e: {  	s1 =	ssub.s32 @!p0 $0x0, s1;
	[sflag:s0] =	ssyncset.done @!p0 $0x0  }
0x5f: {  	[sflag:s0] =	ssyncadd.s32 @!p0 s1  }
0x60: {  	[bflag:$0x3] =	sbarrier.arrive $0xFFFF  }
0x61: {  	_ =	shalt  }

// kernel: kernel.5.cloned.1.call-start
scs
__scs_entry_jumppad:
0x0: {  	(pc) =	sbr.rel $0x88, $3  }
0x1: {  	(tag) =	ssettag $0x0;
	lr =	simm.s32 $0x1  }
0x2: {  	[smem:$0x3F95] =	sst lr;
	_ =	strace $0xD0000000  }
0x3: {  	_ = 	snop  }
0x4: {  	_ = 	snop  }
0x5: {  	_ = 	snop  }
0x6: {  	_ = 	snop  }
0x7: {  	_ = 	snop  }
__scs_overlays_trampoline_lowered:
0x8: {  	[smem:$0x3FA4] =	sst s0  }
0x9: {  	[smem:$0x3FA5] =	sst s1  }
0xa: {  	[smem:$0x3FA6] =	sst s2  }
0xb: {  	[smem:$0x3FA7] =	sst s3  }
0xc: {  	[smem:$0x3FA8] =	sst s4  }
0xd: {  	[smem:$0x3FA9] =	sst s5  }
0xe: {  	[smem:$0x3FAA] =	sst s6  }
0xf: {  	[smem:$0x3FAB] =	sst s7  }
0x10: {  	[smem:$0x3FAC] =	sst s8  }
0x11: {  	[smem:$0x3FAD] =	sst s9;
	s0 =	simm.s32 @!p0 $0x0  }
0x12: {  	s1 =	sld [smem:$0x3F93];
	s0 =	simm.s32 @p0 $0x1  }
0x13: {  	[smem:$0x3FAE] =	sst s0;
	s0 =	simm.s32 @!p1 $0x0  }
0x14: {  	s2 =	sld [smem:$0x3F92];
	s0 =	simm.s32 @p1 $0x1  }
0x15: {  	[smem:$0x3FAF] =	sst s0;
	s0 =	simm.s32 @!p2 $0x0  }
0x16: {  	s3 =	sld [smem:$0x3FDB];
	s0 =	simm.s32 @p2 $0x1  }
0x17: {  	s4 =	simm.s32 $0x1BF5;
	[smem:$0x3FB1] =	sst s0  }
0x18: {  	s0 =	sld [smem:$0x3F94];
	_ =	swait.ge [sflag:s4], $0x0  }
0x19: {  	s7 =	sld [smem:$0x3F95]  }
0x1a: {  	s8 =	sadd.s32 $0xFFFFE003, lr  }
0x1b: {  	s9 =	sadd.s32 $0xFFFFFEF7, lr;
	s5 =	simm.s32 $0xFFFFFFFF;
	p2 =	slt.u32 s8, $0xFFFFF086  }
0x1c: {  	p1 =	slt.u32 s9, $0xF7A;
	s5 =	simm.s32 @!p2 $0x0  }
0x1d: {  	s5 =	simm.s32 @p1 $0x1;
	p0 =	seq.s32 s7, s2  }
0x1e: {  	s7 =	smul.u32 @!p0 $0xF7A, s2;
	p2 =	seq.s32 @!p0 s5, $0x0  }
0x1f: {  	s9 =	smul.u32 $0xF7A, s1;
	s8 =	simm.s32 @!p0 $0x1BF5;
	p2 =	por !p2, p0  }
0x20: {  	[sflag:s8] =	ssyncset.s32 @!p0 $0xFFFFF086;
	s6 =	sadd.s32 @!p0 s3, s7;
	s7 =	simm.s32 @!p0 $0x108  }
0x21: {  	s3 =	sadd.s32 s3, s9;
	s6 =	sadd.s32 @!p0 $0x88, s6;
	s7 =	simm.s32 @p2 $0x1082  }
0x22: {  	[simem:s7], [sflag:s8] =	dma.local @!p0 [hbm:s6], $0xF7A  }
0x23: {  	s9 =	sor.u32 $0xD0000000, s2;
	s6 =	simm.s32 $0x108;
	_ =	swait.ge @!p0 [sflag:s8], $0x0  }
0x24: {  	s3 =	sadd.s32 $0x88, s3;
	s6 =	simm.s32 @!p1 $0x1082;
	[sflag:s4] =	ssyncset.s32 $0xFFFFF086  }
0x25: {  	[simem:s6], [sflag:s4] =	dma.local [hbm:s3], $0xF7A  }
0x26: {  	[smem:$0x3F95] =	sst s1;
	(tag) =	ssettag s2;
	_ =	strace s9  }
0x27: {  	s1 =	sld [smem:$0x3FA5]  }
0x28: {  	s2 =	sld [smem:$0x3FA6]  }
0x29: {  	s4 =	sld [smem:$0x3FA8]  }
0x2a: {  	p0 =	seq.s32 s5, $0x0;
	s5 =	sld [smem:$0x3FA9]  }
0x2b: {  	s6 =	sld [smem:$0x3FAA]  }
0x2c: {  	s7 =	sld [smem:$0x3FAB]  }
0x2d: {  	s3 =	simm.s32 $0x108;
	s8 =	sld [smem:$0x3FAC]  }
0x2e: {  	s3 =	simm.s32 @!p0 $0x1082;
	s9 =	sld [smem:$0x3FAD]  }
0x2f: {  	lr =	sadd.s32 s0, s3;
	s0 =	sld [smem:$0x3FA4]  }
0x30: {  	s3 =	sld [smem:$0x3FA7]  }
0x31: {  	[smem:$0x3FB0] =	sst s10  }
0x32: {  	s10 =	sld [smem:$0x3FAE];
	_ =	sdelay $0x3  }
0x33: {  	p0 =	seq.s32 s10, $0x1;
	s10 =	sld [smem:$0x3FB0];
	_ =	sdelay $0x3  }
0x34: {  	[smem:$0x3FB0] =	sst s10  }
0x35: {  	s10 =	sld [smem:$0x3FAF];
	_ =	sdelay $0x3  }
0x36: {  	p1 =	seq.s32 s10, $0x1;
	s10 =	sld [smem:$0x3FB0];
	_ =	sdelay $0x3  }
0x37: {  	[smem:$0x3FB0] =	sst s10  }
0x38: {  	s10 =	sld [smem:$0x3FB1]  }
0x39: {  	_ = 	snop;
	(pc) =	sbr.ind lr, $3  }
0x3a: {  	_ = 	snop  }
0x3b: {  	_ = 	snop  }
0x3c: {  	p2 =	seq.s32 s10, $0x1;
	s10 =	sld [smem:$0x3FB0]  }
0x3d: {  	_ =	shalt  }
0x3e: {  	_ =	shalt  }
0x3f: {  	_ =	shalt  }
0x40: {  	_ =	shalt  }
0x41: {  	_ =	shalt  }
0x42: {  	_ =	shalt  }
0x43: {  	_ =	shalt  }
0x44: {  	_ =	shalt  }
0x45: {  	_ =	shalt  }
0x46: {  	_ =	shalt  }
0x47: {  	_ =	shalt  }
0x48: {  	_ =	shalt  }
0x49: {  	_ =	shalt  }
0x4a: {  	_ =	shalt  }
0x4b: {  	_ =	shalt  }
0x4c: {  	_ =	shalt  }
0x4d: {  	_ =	shalt  }
0x4e: {  	_ =	shalt  }
0x4f: {  	_ =	shalt  }
0x50: {  	_ =	shalt  }
0x51: {  	_ =	shalt  }
0x52: {  	_ =	shalt  }
0x53: {  	_ =	shalt  }
0x54: {  	_ =	shalt  }
0x55: {  	_ =	shalt  }
0x56: {  	_ =	shalt  }
0x57: {  	_ =	shalt  }
0x58: {  	_ =	shalt  }
0x59: {  	_ =	shalt  }
0x5a: {  	_ =	shalt  }
0x5b: {  	_ =	shalt  }
0x5c: {  	_ =	shalt  }
0x5d: {  	_ =	shalt  }
0x5e: {  	_ =	shalt  }
0x5f: {  	_ =	shalt  }
0x60: {  	_ =	shalt  }
0x61: {  	_ =	shalt  }
0x62: {  	_ =	shalt  }
0x63: {  	_ =	shalt  }
0x64: {  	_ =	shalt  }
0x65: {  	_ =	shalt  }
0x66: {  	_ =	shalt  }
0x67: {  	_ =	shalt  }
0x68: {  	_ =	shalt  }
0x69: {  	_ =	shalt  }
0x6a: {  	_ =	shalt  }
0x6b: {  	_ =	shalt  }
0x6c: {  	_ =	shalt  }
0x6d: {  	_ =	shalt  }
0x6e: {  	_ =	shalt  }
0x6f: {  	_ =	shalt  }
0x70: {  	_ =	shalt  }
0x71: {  	_ =	shalt  }
0x72: {  	_ =	shalt  }
0x73: {  	_ =	shalt  }
0x74: {  	_ =	shalt  }
0x75: {  	_ =	shalt  }
0x76: {  	_ =	shalt  }
0x77: {  	_ =	shalt  }
0x78: {  	_ =	shalt  }
0x79: {  	_ =	shalt  }
0x7a: {  	_ =	shalt  }
0x7b: {  	_ =	shalt  }
0x7c: {  	_ =	shalt  }
0x7d: {  	_ =	shalt  }
0x7e: {  	_ =	shalt  }
0x7f: {  	_ =	shalt  }
0x80: {  	_ =	shalt  }
0x81: {  	_ =	shalt  }
0x82: {  	_ =	shalt  }
0x83: {  	_ =	shalt  }
0x84: {  	_ =	shalt  }
0x85: {  	_ =	shalt  }
0x86: {  	_ =	shalt  }
0x87: {  	_ =	shalt  }
.Lfunc_end0:
.L_simem_size_0:
called_computation.1_lowered:
.L_overlay_start_0:
0x88: {  	s2 =	sld [smem:$0x3FD9]  }
0x89: {  	s3 =	sld [smem:$0x3FFE];
	_ =	sdelay $0x1  }
0x8a: {  	s1 =	srdreg.scid  }
0x8b: {  	s0 =	sand.u32 $0x1, s1  }
0x8c: {  	s17 =	sshll.u32 s0, $0xA;
	s2 =	sadd.s32 s3, s2  }
0x8d: {  	s2 =	sadd.s32 s2, s17  }
0x8e: {  	[smem:$0x3FBC] =	sst s2  }
0x8f: {  	_ = 	snop  }
0x90: {  	s2 =	sld [smem:$0x3FD0];
	(tm) =	ssettm $0x1  }
0x91: {  	s18 =	sld [smem:$0x3FFB];
	_ =	sdelay $0x3  }
0x92: {  	_ =	strace s18  }
0x93: {  	s3 =	sld [smem:$0x3FFC];
	_ =	sdelay $0x3  }
0x94: {  	_ =	strace s3  }
0x95: {  	s3 =	sld [smem:$0x3FFD];
	_ =	sdelay $0x3  }
0x96: {  	_ =	strace s3  }
0x97: {  	_ =	strace $0x8FFFFFFF  }
0x98: {  	s19 =	sld [smem:$0x3FDB];
	_ =	sdelay $0x1  }
0x99: {  	s4 =	simm.s32 $_scs_section_size  }
0x9a: {  	s5 =	simm.s32 $_size__tile_overlayer_lowered;
	s6 =	simm.s32 $_tile_overlayer_lowered  }
0x9b: {  	s22 =	simm.s32 $0x1BFF;
	s21 =	sshll.u32 s6, $0x1;
	s3 =	sadd.s32 s4, s19  }
0x9c: {  	s7 =	simm.s32 $0x0;
	s20 =	sshll.u32 s5, $0x1;
	s5 =	sadd.s32 s21, s3  }
0x9d: {  	[timem:s7], [sflag:s22] =	dma.local [hbm:s5], s20  }
0x9e: {  	_ =	swait.ge [sflag:s22], s20  }
0x9f: {  	s4 =	ssub.s32 $0x0, s20;
	[sflag:s22] =	ssyncset.done $0x0  }
0xa0: {  	[sflag:s22] =	ssyncadd.s32 s4;
	_ =	sdelay $0x1  }
0xa1: {  	s23 =	simm.s32 $0x1B8B  }
0xa2: {  	_ =	swait.ge [sflag:s23], $0x1  }
0xa3: {  	[sflag:s23] =	ssyncset.done $0x0  }
0xa4: {  	s25 =	simm.s32 $0x1B8E;
	s24 =	sld [smem:$0x3FFE];
	[sflag:s23] =	ssyncadd.s32 $0xFFFFFFFF  }
0xa5: {  	s26 =	simm.s32 $execute0_lowered;
	[smem:$0x3FD2] =	sst s25  }
0xa6: {  	s5 =	sshll.u32 s26, $0x1;
	_ =	strace $0x80000049;
	[dreg:$0x1] =	wrdreg $0xFFFFFFFF  }
0xa7: {  	s28 =	simm.s32 $_size_execute0_lowered;
	s3 =	sadd.s32 s3, s5;
	[dreg:$0x0] =	wrdreg $0x0  }
0xa8: {  	s5 =	sshll.u32 s28, $0x1;
	[dreg:$0x2] =	wrdreg s3  }
0xa9: {  	[dreg:$0x3] =	wrdreg s5  }
0xaa: {  	[dreg:$0x4] =	wrdreg $0xC0  }
0xab: {  	_ =	task [dreg:s7], $0x5FFFF  }
0xac: {  	[dreg:$0x1] =	wrdreg $0xFFFFFFFF  }
0xad: {  	[dreg:$0x0] =	wrdreg $0x60  }
0xae: {  	[dreg:$0x2] =	wrdreg s2  }
0xaf: {  	[dreg:$0x3] =	wrdreg s24  }
0xb0: {  	[dreg:$0x4] =	wrdreg $0x9  }
0xb1: {  	_ =	task.clear_ibuf [dreg:s7], $0x5FFFF;
	_ =	strace $0x90000049  }
0xb2: {  	s29 =	simm.s32 $0x9;
	_ =	strace $0x8000004B  }
0xb3: {  	_ =	swait.ge [sflag:s29], $0x1  }
0xb4: {  	[sflag:s29] =	ssyncadd.s32 $0xFFFFFFFF  }
0xb5: {  	_ =	strace $0x9000004B  }
0xb6: {  	_ =	sfence  }
0xb7: {  	s30 =	sld [smem:$0x0];
	_ =	sdelay $0x2  }
0xb8: {  	s31 =	sshll.u32 s1, $0xD;
	s1 =	sshrl.u32 s1, $0x2  }
0xb9: {  	s3 =	sand.u32 $0x4000, s31;
	s1 =	sadd.s32 s1, s30  }
0xba: {  	s0 =	sor.u32 s3, s0;
	s1 =	sshll.u32 s1, $0x11  }
0xbb: {  	s0 =	sor.u32 s1, s0  }
0xbc: {  	s0 =	sadd.s32 $0x8F2B, s0  }
0xbd: {  	[sflag:s0] =	ssyncadd.remote.s32 $0x1  }
0xbe: {  	_ =	sfence.sel $0xFFFF  }
0xbf: {  	[dreg:$0x0] =	wrdreg $0xFFFFFFFF;
	(pc) =	sbr.abs _section_cstart, $3  }
0xc0: {  	[dreg:$0x1] =	wrdreg $0xFFFFFFFF  }
0xc1: {  	_ =	task.clear_ibuf [dreg:s7], $0x2FFFF;
	_ =	strace $0x9FFFFFFF  }
0xc2: {  	(tm) =	ssettm $0x7FFFFFFF  }
0xc3: {  	_ =	shalt  }
tec
execute0_lowered:
.L_overlay_start_1:
0x0: {  	(tag) =	ssettag $0x1  }
0x1: {  	s2 =	rddreg [dreg:$0x0]  }
0x2: {  	s0 =	rddreg [dreg:$0x1]  }
0x3: {  	s1 =	srdreg.scid;
	s4 =	stileid.u32;
	s3 =	simm.s32 $0x0  }
0x4: {  	s10 =	simm.s32 $0x3;
	s13 =	simm.s32 $0x17E00;
	s14 =	simm.s32 $0x18600  }
0x5: {  	s15 =	simm.s32 $0x18E00;
	s16 =	simm.s32 $0x19600;
	s17 =	simm.s32 $0x1  }
0x6: {  	s18 =	simm.s32 $0x19E00;
	s19 =	simm.s32 $0x1A600;
	s20 =	simm.s32 $0x1AE00  }
0x7: {  	s21 =	simm.s32 $0x1B600;
	s22 =	simm.s32 $0x2;
	s23 =	simm.s32 $0x0  }
0x8: {  	s1 =	sand.u32 $0x1, s1;
	s4 =	sshll.u32 s4, $0x1;
	[smem:$0x7FF] =	sst s3  }
0x9: {  	s26 =	simm.s32 $0x0;
	s4 =	sor.u32 s1, s4;
	_ =	strace $0x8000004A  }
0xa: {  	s1 =	ssub.s32 $0x2, s1;
	s5 =	smul.u32 $0x358, s4;
	s6 =	sshll.u32 s4, $0x1  }
0xb: {  	s7 =	smul.u32 $0x2800, s4;
	s8 =	sshrl.u32 s1, $0x1;
	s6 =	sadd.s32 s6, s0  }
0xc: {  	v2 =	vlaneseq.u32;
	s1 =	ssub.s32 s1, s8;
	s4 =	sadd.s32 s0, s5;
	s31 =	sadd.s32 $0xB5400, s6  }
0xd: {  	vm0 =	vmmov $0xffff;
	v3 =	vimm.f32 $-1.000000000e+09;
	v1 =	vshrl.u32 v2, $0x3;
	s0 =	sadd.s32 s7, s0;
	s5 =	sadd.s32 $0x6C00, s4;
	[dreg:$0x4] =	wrdreg s31  }
0xe: {  	v0 =	vand.u32 $0x7, v2;
	v2 =	vor.u32 $0x8, v2;
	v1 =	vmul.u32 $0x8, v1;
	s8 =	smax.u32 s1, $0x1;
	s7 =	sadd.s32 $0xD800, s0;
	[dreg:$0x3] =	wrdreg s5  }
.LBB2_1:
0xf: {  	s0 =	simm.s32 $0x14800  }
0x10: {  	[tilespmem:s0], [sflag:$0x3] =	stream.linear.gather [hbm4b:s4+s3], $0x1AC0, $0x38;
	[tilespmem:$0x1BE80] =	vst v63  }
0x11: {  	_ =	swait.ge [sflag:s10], $0x1AC0  }
0x12: {  	[sflag:s10] =	ssyncset.done $0x0  }
0x13: {  	s1 =	simm.s32 $0x16300;
	s25 =	rddreg [dreg:$0x3];
	[sflag:s10] =	ssyncadd.s32 $0xFFFFE540  }
0x14: {  	[tilespmem:s1], [sflag:$0x3] =	stream.linear.gather [hbm4b:s25+s3], $0x1AC0, $0x38;
	[tilespmem:$0x1BE80] =	vst v63  }
0x15: {  	_ =	swait.ge [sflag:s10], $0x1AC0  }
0x16: {  	[sflag:s10] =	ssyncset.done $0x0  }
0x17: {  	s29 =	simm.s32 $0x1BE00;
	s28 =	rddreg [dreg:$0x4];
	[sflag:s10] =	ssyncadd.s32 $0xFFFFE540  }
0x18: {  	[tilespmem:s29], [sflag:$0x3] =	stream.linear.gather [hbm4b:s28+s3], $0x10, $0x38;
	[tilespmem:$0x1BE80] =	vst v63  }
0x19: {  	_ =	swait.ge [sflag:s10], $0x10  }
0x1a: {  	[sflag:s10] =	ssyncset.done $0x0  }
0x1b: {  	[sflag:s10] =	ssyncadd.s32 $0xFFFFFFF0  }
0x1c: {  	v4 =	vld [tilespmem:$0x14800];
	_ =	sdelay $0x4  }
0x1d: {  	v5 =	vshll.u32 v4, $0x1  }
0x1e: {  	v4 =	vand.u32 $0x7, v4;
	v5 =	vand.u32 $0xFFFFFFF0, v5  }
0x1f: {  	v4 =	vor.u32 v4, v5  }
0x20: {  	v5 =	vperm.xlane v4, v0;
	_ =	sdelay $0x1  }
0x21: {  	v4 =	vperm.xlane v4, v2;
	v5 =	vadd.s32 v1, v5;
	_ =	sdelay $0x1  }
0x22: {  	v6 =	vadd.s32 v1, v4;
	_ =	sdelay $0x2  }
0x23: {  	v4 =	vld [tilespmem:$0x1BE00];
	[tilespmem:s13], [sflag:$0x1] =	stream.indirect_vreg.gather [hbm4b:s2+s3], $0x80, v5, vm0, $0xb8  }
0x24: {  	_ = 	snop  }
0x25: {  	[tilespmem:s14], [sflag:$0x1] =	stream.indirect_vreg.gather [hbm4b:s2+s3], $0x80, v6, vm0, $0xb8;
	[tilespmem:$0x1BE80] =	vst v63  }
0x26: {  	v5 =	vld [tilespmem:$0x14810];
	_ =	sdelay $0x4  }
0x27: {  	v6 =	vshll.u32 v5, $0x1  }
0x28: {  	v5 =	vand.u32 $0x7, v5;
	v6 =	vand.u32 $0xFFFFFFF0, v6  }
0x29: {  	v5 =	vor.u32 v5, v6  }
0x2a: {  	v6 =	vperm.xlane v5, v0;
	_ =	sdelay $0x1  }
0x2b: {  	v5 =	vperm.xlane v5, v2;
	v6 =	vadd.s32 v1, v6;
	_ =	sdelay $0x1  }
0x2c: {  	v5 =	vadd.s32 v1, v5;
	_ =	sdelay $0x1  }
0x2d: {  	s30 =	sand.u32 $0x1F800, s3;
	s31 =	sand.u32 $0x380, s3  }
0x2e: {  	[tilespmem:s15], [sflag:$0x1] =	stream.indirect_vreg.gather [hbm4b:s2+s3], $0x80, v6, vm0, $0xb8;
	[tilespmem:$0x1BE80] =	vst v63  }
0x2f: {  	s0 =	sor.u32 s31, s30  }
0x30: {  	[tilespmem:s16], [sflag:$0x1] =	stream.indirect_vreg.gather [hbm4b:s2+s3], $0x80, v5, vm0, $0xb8;
	[tilespmem:$0x1BE80] =	vst v63  }
0x31: {  	[tilespmem:s0+$0x470] =	vst v3  }
0x32: {  	[tilespmem:s0+$0x0] =	vst v3  }
0x33: {  	[tilespmem:s0+$0x10] =	vst v3  }
0x34: {  	[tilespmem:s0+$0x20] =	vst v3  }
0x35: {  	[tilespmem:s0+$0x30] =	vst v3  }
0x36: {  	[tilespmem:s0+$0x40] =	vst v3  }
0x37: {  	[tilespmem:s0+$0x50] =	vst v3  }
0x38: {  	[tilespmem:s0+$0x60] =	vst v3  }
0x39: {  	[tilespmem:s0+$0x70] =	vst v3  }
0x3a: {  	[tilespmem:s0+$0x400] =	vst v3  }
0x3b: {  	[tilespmem:s0+$0x410] =	vst v3  }
0x3c: {  	[tilespmem:s0+$0x420] =	vst v3  }
0x3d: {  	[tilespmem:s0+$0x430] =	vst v3  }
0x3e: {  	s9 =	simm.s32 $0x100;
	s1 =	simm.s32 $0x80;
	[tilespmem:s0+$0x440] =	vst v3  }
0x3f: {  	s11 =	sand.u32 $0x1F800, s9;
	s9 =	simm.s32 $0x200;
	s12 =	sand.u32 $0x380, s1;
	[tilespmem:s0+$0x450] =	vst v3  }
.LBB2_2:
0x40: {  	p0 =	seq.s32 s9, $0x14000;
	[tilespmem:s0+$0x460] =	vst v3;
	s0 =	sor.u32 s12, s11  }
0x41: {  	[tilespmem:s0+$0x470] =	vst v3  }
0x42: {  	[tilespmem:s0+$0x0] =	vst v3  }
0x43: {  	[tilespmem:s0+$0x10] =	vst v3  }
0x44: {  	[tilespmem:s0+$0x20] =	vst v3  }
0x45: {  	[tilespmem:s0+$0x30] =	vst v3  }
0x46: {  	[tilespmem:s0+$0x40] =	vst v3  }
0x47: {  	[tilespmem:s0+$0x50] =	vst v3  }
0x48: {  	[tilespmem:s0+$0x60] =	vst v3  }
0x49: {  	[tilespmem:s0+$0x70] =	vst v3  }
0x4a: {  	[tilespmem:s0+$0x400] =	vst v3  }
.Ltmp0:
0x4b: {  	[tilespmem:s0+$0x410] =	vst v3;
	(pc) =	sbr.rel @!p0 .LBB2_2-.Ltmp0, $4  }
0x4c: {  	[tilespmem:s0+$0x420] =	vst v3  }
0x4d: {  	[tilespmem:s0+$0x430] =	vst v3  }
0x4e: {  	s1 =	sadd.s32 $0x80, s1;
	[tilespmem:s0+$0x440] =	vst v3  }
0x4f: {  	s11 =	sand.u32 $0x1F800, s9;
	s9 =	sadd.s32 $0x100, s9;
	s12 =	sand.u32 $0x380, s1;
	[tilespmem:s0+$0x450] =	vst v3  }
0x50: {  	(v2sf) =	vpush v4, $0x0;
	_ =	sdelay $0x3  }
0x51: {  	s1 =	sor.u32 s12, s11;
	[tilespmem:s0+$0x460] =	vst v3  }
0x52: {  	[tilespmem:s1+$0x470] =	vst v3  }
0x53: {  	[tilespmem:s1+$0x0] =	vst v3  }
0x54: {  	[tilespmem:s1+$0x10] =	vst v3  }
0x55: {  	[tilespmem:s1+$0x20] =	vst v3  }
0x56: {  	[tilespmem:s1+$0x30] =	vst v3  }
0x57: {  	[tilespmem:s1+$0x40] =	vst v3  }
0x58: {  	[tilespmem:s1+$0x50] =	vst v3  }
0x59: {  	[tilespmem:s1+$0x60] =	vst v3  }
0x5a: {  	[tilespmem:s1+$0x70] =	vst v3  }
0x5b: {  	[tilespmem:s1+$0x400] =	vst v3  }
0x5c: {  	[tilespmem:s1+$0x410] =	vst v3;
	s24 =	spop (v2sf)  }
0x5d: {  	[tilespmem:s1+$0x420] =	vst v3;
	s0 =	sadd.s32 $0x1F, s24  }
0x5e: {  	[tilespmem:s1+$0x430] =	vst v3;
	s25 =	sand.u32 $0x1F, s0  }
0x5f: {  	[tilespmem:s1+$0x440] =	vst v3;
	s9 =	sshra.s32 s0, $0x1F;
	p0 =	slt.s32 s0, $0x1;
	p1 =	sne.s32 s25, $0x0  }
0x60: {  	[tilespmem:s1+$0x450] =	vst v3;
	s28 =	sshrl.u32 s9, $0x1B;
	p0 =	por !p0, !p1  }
0x61: {  	[tilespmem:s1+$0x460] =	vst v3;
	s1 =	simm.s32 $0x1;
	s0 =	sadd.s32 s28, s0;
	p0 =	por !p0, !p0  }
0x62: {  	s0 =	sshra.s32 s0, $0x5;
	s1 =	simm.s32 @!p0 $0x0  }
0x63: {  	s0 =	ssub.s32 s0, s1  }
0x64: {  	p0 =	sgt.s32 s0, $0x1  }
0x65: {  	s0 =	simm.s32 @!p0 $0x1  }
0x66: {  	s11 =	simm.s32 $0x16300;
	s29 =	simm.s32 $0x16320;
	s31 =	sadd.s32 $0x1, s0  }
0x67: {  	s30 =	simm.s32 $0x0;
	s24 =	sadd.s32 $0xFFFFFFFF, s0;
	s25 =	sshrl.u32 s31, $0x1  }
.LBB2_4:
0x68: {  	s0 =	sshllo.u32 s30, $0x1  }
0x69: {  	s1 =	smov.u32 s24;
	p0 =	slt.s32 s0, s24  }
0x6a: {  	s1 =	smov.u32 @p0 s0  }
0x6b: {  	s0 =	sshll.u32 s1, $0x7  }
0x6c: {  	s0 =	sshra.s32 s0, $0x2  }
0x6d: {  	v4 =	vld [tilespmem:s0+$0x14800];
	_ =	sdelay $0x4  }
0x6e: {  	v5 =	vshll.u32 v4, $0x1  }
0x6f: {  	v4 =	vand.u32 $0x7, v4;
	v5 =	vand.u32 $0xFFFFFFF0, v5  }
0x70: {  	v4 =	vor.u32 v4, v5  }
0x71: {  	v5 =	vperm.xlane v4, v0;
	_ =	sdelay $0x1  }
0x72: {  	v4 =	vperm.xlane v4, v2;
	v5 =	vadd.s32 v1, v5;
	_ =	sdelay $0x1  }
0x73: {  	v4 =	vadd.s32 v1, v4;
	_ =	sdelay $0x2  }
0x74: {  	[tilespmem:s18], [sflag:$0x2] =	stream.indirect_vreg.gather [hbm4b:s2+s26], $0x80, v5, vm0, $0xb8;
	[tilespmem:$0x1BE80] =	vst v63  }
0x75: {  	_ = 	snop  }
0x76: {  	[tilespmem:s19], [sflag:$0x2] =	stream.indirect_vreg.gather [hbm4b:s2+s26], $0x80, v4, vm0, $0xb8;
	[tilespmem:$0x1BE80] =	vst v63  }
0x77: {  	v4 =	vld [tilespmem:s0+$0x14810];
	_ =	sdelay $0x4  }
0x78: {  	v5 =	vshll.u32 v4, $0x1  }
0x79: {  	v4 =	vand.u32 $0x7, v4;
	v5 =	vand.u32 $0xFFFFFFF0, v5  }
0x7a: {  	v4 =	vor.u32 v4, v5  }
0x7b: {  	v5 =	vperm.xlane v4, v0;
	_ =	sdelay $0x1  }
0x7c: {  	v4 =	vperm.xlane v4, v2;
	v5 =	vadd.s32 v1, v5;
	_ =	sdelay $0x1  }
0x7d: {  	v4 =	vadd.s32 v1, v4;
	_ =	sdelay $0x2  }
0x7e: {  	[tilespmem:s20], [sflag:$0x2] =	stream.indirect_vreg.gather [hbm4b:s2+s26], $0x80, v5, vm0, $0xb8;
	[tilespmem:$0x1BE80] =	vst v63  }
0x7f: {  	_ = 	snop  }
0x80: {  	[tilespmem:s21], [sflag:$0x2] =	stream.indirect_vreg.gather [hbm4b:s2+s26], $0x80, v4, vm0, $0xb8;
	[tilespmem:$0x1BE80] =	vst v63  }
0x81: {  	_ =	swait.ge [sflag:s17], $0x2000  }
0x82: {  	[sflag:s17] =	ssyncset.done $0x0  }
0x83: {  	[sflag:s17] =	ssyncadd.s32 $0xFFFFE000  }
0x84: {  	v4 =	vld [tilespmem:s11+$0x0];
	_ =	sdelay $0x4  }
0x85: {  	(v2sf) =	vpush v4, $0x0;
	_ =	sdelay $0xe  }
0x86: {  	s5 =	sand.u32 $0x380, s26;
	s6 =	spop (v2sf)  }
0x87: {  	s12 =	sand.u32 $0x1800, s26;
	s9 =	sshll.u32 s6, $0x8;
	s1 =	sshll.u32 s6, $0x7  }
0x88: {  	s0 =	sor.u32 s5, s12;
	s9 =	sand.u32 $0xFFFFF800, s9;
	s1 =	sand.u32 $0x380, s1  }
0x89: {  	v4 =	vld [tilespmem:s0+$0x17E00];
	s31 =	sor.u32 s1, s9  }
0x8a: {  	v5 =	vld [tilespmem:s31+$0x0];
	_ =	sdelay $0x4  }
0x8b: {  	v4 =	vmax.f32 v5, v4  }
0x8c: {  	s12 =	sadd.s32 $0x17E00, s0;
	[tilespmem:s31+$0x0] =	vst v4;
	v4 =	vld [tilespmem:s31+$0x10]  }
0x8d: {  	v5 =	vld [tilespmem:s12+$0x10];
	_ =	sdelay $0x4  }
0x8e: {  	v4 =	vmax.f32 v4, v5  }
0x8f: {  	[tilespmem:s31+$0x10] =	vst v4;
	v4 =	vld [tilespmem:s31+$0x20]  }
0x90: {  	v5 =	vld [tilespmem:s12+$0x20];
	_ =	sdelay $0x4  }
0x91: {  	v4 =	vmax.f32 v4, v5  }
0x92: {  	[tilespmem:s31+$0x20] =	vst v4;
	v4 =	vld [tilespmem:s31+$0x30]  }
0x93: {  	v5 =	vld [tilespmem:s12+$0x30];
	_ =	sdelay $0x4  }
0x94: {  	v4 =	vmax.f32 v4, v5  }
0x95: {  	[tilespmem:s31+$0x30] =	vst v4;
	v4 =	vld [tilespmem:s31+$0x40]  }
0x96: {  	v5 =	vld [tilespmem:s12+$0x40];
	_ =	sdelay $0x4  }
0x97: {  	v4 =	vmax.f32 v4, v5  }
0x98: {  	[tilespmem:s31+$0x40] =	vst v4;
	v4 =	vld [tilespmem:s31+$0x50]  }
0x99: {  	v5 =	vld [tilespmem:s12+$0x50];
	_ =	sdelay $0x4  }
0x9a: {  	v4 =	vmax.f32 v4, v5  }
0x9b: {  	[tilespmem:s31+$0x50] =	vst v4;
	v4 =	vld [tilespmem:s31+$0x60]  }
0x9c: {  	v5 =	vld [tilespmem:s12+$0x60];
	_ =	sdelay $0x4  }
0x9d: {  	v4 =	vmax.f32 v4, v5  }
0x9e: {  	[tilespmem:s31+$0x60] =	vst v4;
	v4 =	vld [tilespmem:s31+$0x70]  }
0x9f: {  	v5 =	vld [tilespmem:s12+$0x70];
	_ =	sdelay $0x4  }
0xa0: {  	v4 =	vmax.f32 v4, v5  }
0xa1: {  	[tilespmem:s31+$0x70] =	vst v4;
	v4 =	vld [tilespmem:s31+$0x400]  }
0xa2: {  	v5 =	vld [tilespmem:s12+$0x400];
	_ =	sdelay $0x4  }
0xa3: {  	v4 =	vmax.f32 v4, v5  }
0xa4: {  	[tilespmem:s31+$0x400] =	vst v4;
	v4 =	vld [tilespmem:s31+$0x410]  }
0xa5: {  	v5 =	vld [tilespmem:s12+$0x410];
	_ =	sdelay $0x4  }
0xa6: {  	v4 =	vmax.f32 v4, v5  }
0xa7: {  	[tilespmem:s31+$0x410] =	vst v4;
	v4 =	vld [tilespmem:s31+$0x420]  }
0xa8: {  	v5 =	vld [tilespmem:s12+$0x420];
	_ =	sdelay $0x4  }
0xa9: {  	v4 =	vmax.f32 v4, v5  }
0xaa: {  	[tilespmem:s31+$0x420] =	vst v4;
	v4 =	vld [tilespmem:s31+$0x430]  }
0xab: {  	v5 =	vld [tilespmem:s12+$0x430];
	_ =	sdelay $0x4  }
0xac: {  	v4 =	vmax.f32 v4, v5  }
0xad: {  	[tilespmem:s31+$0x430] =	vst v4;
	v4 =	vld [tilespmem:s31+$0x440]  }
0xae: {  	v5 =	vld [tilespmem:s12+$0x440];
	_ =	sdelay $0x4  }
0xaf: {  	v4 =	vmax.f32 v4, v5  }
0xb0: {  	[tilespmem:s31+$0x440] =	vst v4;
	v4 =	vld [tilespmem:s31+$0x450]  }
0xb1: {  	v5 =	vld [tilespmem:s12+$0x450];
	_ =	sdelay $0x4  }
0xb2: {  	v4 =	vmax.f32 v4, v5  }
0xb3: {  	[tilespmem:s31+$0x450] =	vst v4;
	v4 =	vld [tilespmem:s31+$0x460]  }
0xb4: {  	v5 =	vld [tilespmem:s12+$0x460];
	_ =	sdelay $0x4  }
0xb5: {  	v4 =	vmax.f32 v4, v5  }
0xb6: {  	s28 =	smov.u32 s11;
	[tilespmem:s31+$0x460] =	vst v4;
	v4 =	vld [tilespmem:s31+$0x470]  }
0xb7: {  	s0 =	sshll.u32 s30, $0x1;
	s1 =	simm.s32 $0x100;
	s9 =	simm.s32 $0x0;
	v5 =	vld [tilespmem:s12+$0x470]  }
.LBB2_5:
0xb8: {  	_ =	sdelay $0x3  }
0xb9: {  	p0 =	sne.s32 s1, $0x1F00;
	s9 =	sadd.s32 $0x80, s9;
	s28 =	sadd.s32 $0x1, s28;
	v4 =	vmax.f32 v4, v5  }
0xba: {  	s12 =	smov.u32 s1;
	s1 =	sadd.s32 $0x100, s1;
	[tilespmem:s31+$0x470] =	vst v4  }
0xbb: {  	v4 =	vld [tilespmem:s28+$0x0];
	_ =	sdelay $0x4  }
0xbc: {  	(v2sf) =	vpush v4, $0x0;
	_ =	sdelay $0xe  }
0xbd: {  	s31 =	sand.u32 $0x380, s9;
	s5 =	spop (v2sf)  }
0xbe: {  	s12 =	sand.u32 $0x1800, s12;
	s6 =	sshll.u32 s5, $0x8;
	s5 =	sshll.u32 s5, $0x7  }
0xbf: {  	s12 =	sor.u32 s31, s12;
	s6 =	sand.u32 $0xFFFFF800, s6;
	s5 =	sand.u32 $0x380, s5  }
0xc0: {  	s31 =	sor.u32 s5, s6;
	v4 =	vld [tilespmem:s12+$0x17E00]  }
0xc1: {  	v5 =	vld [tilespmem:s31+$0x0];
	_ =	sdelay $0x4  }
0xc2: {  	s12 =	sadd.s32 $0x17E00, s12;
	v4 =	vmax.f32 v5, v4  }
0xc3: {  	[tilespmem:s31+$0x0] =	vst v4;
	v4 =	vld [tilespmem:s31+$0x10]  }
0xc4: {  	v5 =	vld [tilespmem:s12+$0x10];
	_ =	sdelay $0x4  }
0xc5: {  	v4 =	vmax.f32 v4, v5  }
0xc6: {  	[tilespmem:s31+$0x10] =	vst v4;
	v4 =	vld [tilespmem:s31+$0x20]  }
0xc7: {  	v5 =	vld [tilespmem:s12+$0x20];
	_ =	sdelay $0x4  }
0xc8: {  	v4 =	vmax.f32 v4, v5  }
0xc9: {  	[tilespmem:s31+$0x20] =	vst v4;
	v4 =	vld [tilespmem:s31+$0x30]  }
0xca: {  	v5 =	vld [tilespmem:s12+$0x30];
	_ =	sdelay $0x4  }
0xcb: {  	v4 =	vmax.f32 v4, v5  }
0xcc: {  	[tilespmem:s31+$0x30] =	vst v4;
	v4 =	vld [tilespmem:s31+$0x40]  }
0xcd: {  	v5 =	vld [tilespmem:s12+$0x40];
	_ =	sdelay $0x4  }
0xce: {  	v4 =	vmax.f32 v4, v5  }
0xcf: {  	[tilespmem:s31+$0x40] =	vst v4;
	v4 =	vld [tilespmem:s31+$0x50]  }
0xd0: {  	v5 =	vld [tilespmem:s12+$0x50];
	_ =	sdelay $0x4  }
0xd1: {  	v4 =	vmax.f32 v4, v5  }
0xd2: {  	[tilespmem:s31+$0x50] =	vst v4;
	v4 =	vld [tilespmem:s31+$0x60]  }
0xd3: {  	v5 =	vld [tilespmem:s12+$0x60];
	_ =	sdelay $0x4  }
0xd4: {  	v4 =	vmax.f32 v4, v5  }
0xd5: {  	[tilespmem:s31+$0x60] =	vst v4;
	v4 =	vld [tilespmem:s31+$0x70]  }
0xd6: {  	v5 =	vld [tilespmem:s12+$0x70];
	_ =	sdelay $0x4  }
0xd7: {  	v4 =	vmax.f32 v4, v5  }
0xd8: {  	[tilespmem:s31+$0x70] =	vst v4;
	v4 =	vld [tilespmem:s31+$0x400]  }
0xd9: {  	v5 =	vld [tilespmem:s12+$0x400];
	_ =	sdelay $0x4  }
0xda: {  	v4 =	vmax.f32 v4, v5  }
0xdb: {  	[tilespmem:s31+$0x400] =	vst v4;
	v4 =	vld [tilespmem:s31+$0x410]  }
0xdc: {  	v5 =	vld [tilespmem:s12+$0x410];
	_ =	sdelay $0x4  }
0xdd: {  	v4 =	vmax.f32 v4, v5  }
0xde: {  	[tilespmem:s31+$0x410] =	vst v4;
	v4 =	vld [tilespmem:s31+$0x420]  }
0xdf: {  	v5 =	vld [tilespmem:s12+$0x420];
	_ =	sdelay $0x4  }
0xe0: {  	v4 =	vmax.f32 v4, v5  }
0xe1: {  	[tilespmem:s31+$0x420] =	vst v4;
	v4 =	vld [tilespmem:s31+$0x430]  }
0xe2: {  	v5 =	vld [tilespmem:s12+$0x430];
	_ =	sdelay $0x4  }
0xe3: {  	v4 =	vmax.f32 v4, v5  }
0xe4: {  	[tilespmem:s31+$0x430] =	vst v4;
	v4 =	vld [tilespmem:s31+$0x440]  }
0xe5: {  	v5 =	vld [tilespmem:s12+$0x440];
	_ =	sdelay $0x4  }
0xe6: {  	v4 =	vmax.f32 v4, v5  }
0xe7: {  	[tilespmem:s31+$0x440] =	vst v4;
	v4 =	vld [tilespmem:s31+$0x450]  }
0xe8: {  	v5 =	vld [tilespmem:s12+$0x450];
	_ =	sdelay $0x4  }
0xe9: {  	v4 =	vmax.f32 v4, v5  }
0xea: {  	[tilespmem:s31+$0x450] =	vst v4;
	v4 =	vld [tilespmem:s31+$0x460]  }
0xeb: {  	v5 =	vld [tilespmem:s12+$0x460];
	_ =	sdelay $0x2  }
.Ltmp1:
0xec: {  	(pc) =	sbr.rel @p0 .LBB2_5-.Ltmp1, $4  }
0xed: {  	_ = 	snop  }
0xee: {  	v4 =	vmax.f32 v4, v5  }
0xef: {  	[tilespmem:s31+$0x460] =	vst v4;
	v4 =	vld [tilespmem:s31+$0x470]  }
0xf0: {  	v5 =	vld [tilespmem:s12+$0x470]  }
0xf1: {  	_ = 	snop  }
0xf2: {  	s0 =	sadd.s32 $0x2, s0  }
0xf3: {  	s1 =	smov.u32 s24;
	p0 =	slt.s32 s0, s24  }
0xf4: {  	s1 =	smov.u32 @p0 s0  }
0xf5: {  	s0 =	sshll.u32 s1, $0x7;
	v4 =	vmax.f32 v4, v5  }
0xf6: {  	s0 =	sshra.s32 s0, $0x2;
	[tilespmem:s31+$0x470] =	vst v4  }
0xf7: {  	v4 =	vld [tilespmem:s0+$0x14800];
	_ =	sdelay $0x4  }
0xf8: {  	v5 =	vshll.u32 v4, $0x1  }
0xf9: {  	v4 =	vand.u32 $0x7, v4;
	v5 =	vand.u32 $0xFFFFFFF0, v5  }
0xfa: {  	v4 =	vor.u32 v4, v5  }
0xfb: {  	v5 =	vperm.xlane v4, v0;
	_ =	sdelay $0x1  }
0xfc: {  	v4 =	vperm.xlane v4, v2;
	v5 =	vadd.s32 v1, v5;
	_ =	sdelay $0x1  }
0xfd: {  	v4 =	vadd.s32 v1, v4;
	_ =	sdelay $0x1  }
0xfe: {  	s31 =	simm.s32 $0x0  }
0xff: {  	[tilespmem:s13], [sflag:$0x1] =	stream.indirect_vreg.gather [hbm4b:s2+s31], $0x80, v5, vm0, $0xb8;
	[tilespmem:$0x1BE80] =	vst v63  }
0x100: {  	_ = 	snop  }
0x101: {  	[tilespmem:s14], [sflag:$0x1] =	stream.indirect_vreg.gather [hbm4b:s2+s31], $0x80, v4, vm0, $0xb8;
	[tilespmem:$0x1BE80] =	vst v63  }
0x102: {  	v4 =	vld [tilespmem:s0+$0x14810];
	_ =	sdelay $0x4  }
0x103: {  	v5 =	vshll.u32 v4, $0x1  }
0x104: {  	v4 =	vand.u32 $0x7, v4;
	v5 =	vand.u32 $0xFFFFFFF0, v5  }
0x105: {  	v4 =	vor.u32 v4, v5  }
0x106: {  	v5 =	vperm.xlane v4, v0;
	_ =	sdelay $0x1  }
0x107: {  	v4 =	vperm.xlane v4, v2;
	v5 =	vadd.s32 v1, v5;
	_ =	sdelay $0x1  }
0x108: {  	v4 =	vadd.s32 v1, v4;
	_ =	sdelay $0x2  }
0x109: {  	[tilespmem:s15], [sflag:$0x1] =	stream.indirect_vreg.gather [hbm4b:s2+s31], $0x80, v5, vm0, $0xb8;
	[tilespmem:$0x1BE80] =	vst v63  }
0x10a: {  	_ = 	snop  }
0x10b: {  	[tilespmem:s16], [sflag:$0x1] =	stream.indirect_vreg.gather [hbm4b:s2+s31], $0x80, v4, vm0, $0xb8;
	[tilespmem:$0x1BE80] =	vst v63  }
0x10c: {  	_ =	swait.ge [sflag:s22], $0x2000  }
0x10d: {  	[sflag:s22] =	ssyncset.done $0x0  }
0x10e: {  	[sflag:s22] =	ssyncadd.s32 $0xFFFFE000  }
0x10f: {  	v4 =	vld [tilespmem:s29+$0x0];
	_ =	sdelay $0x4  }
0x110: {  	(v2sf) =	vpush v4, $0x0;
	_ =	sdelay $0xe  }
0x111: {  	s9 =	sand.u32 $0x380, s31;
	s12 =	spop (v2sf)  }
0x112: {  	s6 =	sand.u32 $0x1800, s31;
	s5 =	sshll.u32 s12, $0x8;
	s1 =	sshll.u32 s12, $0x7  }
0x113: {  	s6 =	sor.u32 s9, s6;
	s5 =	sand.u32 $0xFFFFF800, s5;
	s1 =	sand.u32 $0x380, s1  }
0x114: {  	v4 =	vld [tilespmem:s6+$0x19E00];
	s0 =	sor.u32 s1, s5  }
0x115: {  	v5 =	vld [tilespmem:s0+$0x0];
	_ =	sdelay $0x4  }
0x116: {  	v4 =	vmax.f32 v5, v4  }
0x117: {  	s28 =	sadd.s32 $0x19E00, s6;
	[tilespmem:s0+$0x0] =	vst v4;
	v4 =	vld [tilespmem:s0+$0x10]  }
0x118: {  	v5 =	vld [tilespmem:s28+$0x10];
	_ =	sdelay $0x4  }
0x119: {  	v4 =	vmax.f32 v4, v5  }
0x11a: {  	[tilespmem:s0+$0x10] =	vst v4;
	v4 =	vld [tilespmem:s0+$0x20]  }
0x11b: {  	v5 =	vld [tilespmem:s28+$0x20];
	_ =	sdelay $0x4  }
0x11c: {  	v4 =	vmax.f32 v4, v5  }
0x11d: {  	[tilespmem:s0+$0x20] =	vst v4;
	v4 =	vld [tilespmem:s0+$0x30]  }
0x11e: {  	v5 =	vld [tilespmem:s28+$0x30];
	_ =	sdelay $0x4  }
0x11f: {  	v4 =	vmax.f32 v4, v5  }
0x120: {  	[tilespmem:s0+$0x30] =	vst v4;
	v4 =	vld [tilespmem:s0+$0x40]  }
0x121: {  	v5 =	vld [tilespmem:s28+$0x40];
	_ =	sdelay $0x4  }
0x122: {  	v4 =	vmax.f32 v4, v5  }
0x123: {  	[tilespmem:s0+$0x40] =	vst v4;
	v4 =	vld [tilespmem:s0+$0x50]  }
0x124: {  	v5 =	vld [tilespmem:s28+$0x50];
	_ =	sdelay $0x4  }
0x125: {  	v4 =	vmax.f32 v4, v5  }
0x126: {  	[tilespmem:s0+$0x50] =	vst v4;
	v4 =	vld [tilespmem:s0+$0x60]  }
0x127: {  	v5 =	vld [tilespmem:s28+$0x60];
	_ =	sdelay $0x4  }
0x128: {  	v4 =	vmax.f32 v4, v5  }
0x129: {  	[tilespmem:s0+$0x60] =	vst v4;
	v4 =	vld [tilespmem:s0+$0x70]  }
0x12a: {  	v5 =	vld [tilespmem:s28+$0x70];
	_ =	sdelay $0x4  }
0x12b: {  	v4 =	vmax.f32 v4, v5  }
0x12c: {  	[tilespmem:s0+$0x70] =	vst v4;
	v4 =	vld [tilespmem:s0+$0x400]  }
0x12d: {  	v5 =	vld [tilespmem:s28+$0x400];
	_ =	sdelay $0x4  }
0x12e: {  	v4 =	vmax.f32 v4, v5  }
0x12f: {  	[tilespmem:s0+$0x400] =	vst v4;
	v4 =	vld [tilespmem:s0+$0x410]  }
0x130: {  	v5 =	vld [tilespmem:s28+$0x410];
	_ =	sdelay $0x4  }
0x131: {  	v4 =	vmax.f32 v4, v5  }
0x132: {  	[tilespmem:s0+$0x410] =	vst v4;
	v4 =	vld [tilespmem:s0+$0x420]  }
0x133: {  	v5 =	vld [tilespmem:s28+$0x420];
	_ =	sdelay $0x4  }
0x134: {  	v4 =	vmax.f32 v4, v5  }
0x135: {  	[tilespmem:s0+$0x420] =	vst v4;
	v4 =	vld [tilespmem:s0+$0x430]  }
0x136: {  	v5 =	vld [tilespmem:s28+$0x430];
	_ =	sdelay $0x4  }
0x137: {  	v4 =	vmax.f32 v4, v5  }
0x138: {  	[tilespmem:s0+$0x430] =	vst v4;
	v4 =	vld [tilespmem:s0+$0x440]  }
0x139: {  	v5 =	vld [tilespmem:s28+$0x440];
	_ =	sdelay $0x4  }
0x13a: {  	v4 =	vmax.f32 v4, v5  }
0x13b: {  	[tilespmem:s0+$0x440] =	vst v4;
	v4 =	vld [tilespmem:s0+$0x450]  }
0x13c: {  	v5 =	vld [tilespmem:s28+$0x450];
	_ =	sdelay $0x4  }
0x13d: {  	v4 =	vmax.f32 v4, v5  }
0x13e: {  	[tilespmem:s0+$0x450] =	vst v4;
	v4 =	vld [tilespmem:s0+$0x460]  }
0x13f: {  	v5 =	vld [tilespmem:s28+$0x460];
	_ =	sdelay $0x4  }
0x140: {  	v4 =	vmax.f32 v4, v5  }
0x141: {  	[tilespmem:s0+$0x460] =	vst v4;
	v4 =	vld [tilespmem:s0+$0x470]  }
0x142: {  	s9 =	smov.u32 s29;
	s1 =	simm.s32 $0x100;
	v5 =	vld [tilespmem:s28+$0x470]  }
.LBB2_7:
0x143: {  	_ =	sdelay $0x3  }
0x144: {  	p0 =	sne.s32 s1, $0x1F00;
	s31 =	sadd.s32 $0x80, s31;
	s9 =	sadd.s32 $0x1, s9;
	v4 =	vmax.f32 v4, v5  }
0x145: {  	[tilespmem:s0+$0x470] =	vst v4;
	s0 =	smov.u32 s1;
	s1 =	sadd.s32 $0x100, s1  }
0x146: {  	v4 =	vld [tilespmem:s9+$0x0];
	_ =	sdelay $0x4  }
0x147: {  	(v2sf) =	vpush v4, $0x0;
	_ =	sdelay $0xe  }
0x148: {  	s5 =	sand.u32 $0x380, s31;
	s6 =	spop (v2sf)  }
0x149: {  	s0 =	sand.u32 $0x1800, s0;
	s12 =	sshll.u32 s6, $0x8;
	s6 =	sshll.u32 s6, $0x7  }
0x14a: {  	s5 =	sor.u32 s5, s0;
	s12 =	sand.u32 $0xFFFFF800, s12;
	s6 =	sand.u32 $0x380, s6  }
0x14b: {  	s0 =	sor.u32 s6, s12;
	v4 =	vld [tilespmem:s5+$0x19E00]  }
0x14c: {  	v5 =	vld [tilespmem:s0+$0x0];
	_ =	sdelay $0x4  }
0x14d: {  	s12 =	sadd.s32 $0x19E00, s5;
	v4 =	vmax.f32 v5, v4  }
0x14e: {  	[tilespmem:s0+$0x0] =	vst v4;
	v4 =	vld [tilespmem:s0+$0x10]  }
0x14f: {  	v5 =	vld [tilespmem:s12+$0x10];
	_ =	sdelay $0x4  }
0x150: {  	v4 =	vmax.f32 v4, v5  }
0x151: {  	[tilespmem:s0+$0x10] =	vst v4;
	v4 =	vld [tilespmem:s0+$0x20]  }
0x152: {  	v5 =	vld [tilespmem:s12+$0x20];
	_ =	sdelay $0x4  }
0x153: {  	v4 =	vmax.f32 v4, v5  }
0x154: {  	[tilespmem:s0+$0x20] =	vst v4;
	v4 =	vld [tilespmem:s0+$0x30]  }
0x155: {  	v5 =	vld [tilespmem:s12+$0x30];
	_ =	sdelay $0x4  }
0x156: {  	v4 =	vmax.f32 v4, v5  }
0x157: {  	[tilespmem:s0+$0x30] =	vst v4;
	v4 =	vld [tilespmem:s0+$0x40]  }
0x158: {  	v5 =	vld [tilespmem:s12+$0x40];
	_ =	sdelay $0x4  }
0x159: {  	v4 =	vmax.f32 v4, v5  }
0x15a: {  	[tilespmem:s0+$0x40] =	vst v4;
	v4 =	vld [tilespmem:s0+$0x50]  }
0x15b: {  	v5 =	vld [tilespmem:s12+$0x50];
	_ =	sdelay $0x4  }
0x15c: {  	v4 =	vmax.f32 v4, v5  }
0x15d: {  	[tilespmem:s0+$0x50] =	vst v4;
	v4 =	vld [tilespmem:s0+$0x60]  }
0x15e: {  	v5 =	vld [tilespmem:s12+$0x60];
	_ =	sdelay $0x4  }
0x15f: {  	v4 =	vmax.f32 v4, v5  }
0x160: {  	[tilespmem:s0+$0x60] =	vst v4;
	v4 =	vld [tilespmem:s0+$0x70]  }
0x161: {  	v5 =	vld [tilespmem:s12+$0x70];
	_ =	sdelay $0x4  }
0x162: {  	v4 =	vmax.f32 v4, v5  }
0x163: {  	[tilespmem:s0+$0x70] =	vst v4;
	v4 =	vld [tilespmem:s0+$0x400]  }
0x164: {  	v5 =	vld [tilespmem:s12+$0x400];
	_ =	sdelay $0x4  }
0x165: {  	v4 =	vmax.f32 v4, v5  }
0x166: {  	[tilespmem:s0+$0x400] =	vst v4;
	v4 =	vld [tilespmem:s0+$0x410]  }
0x167: {  	v5 =	vld [tilespmem:s12+$0x410];
	_ =	sdelay $0x4  }
0x168: {  	v4 =	vmax.f32 v4, v5  }
0x169: {  	[tilespmem:s0+$0x410] =	vst v4;
	v4 =	vld [tilespmem:s0+$0x420]  }
0x16a: {  	v5 =	vld [tilespmem:s12+$0x420];
	_ =	sdelay $0x4  }
0x16b: {  	v4 =	vmax.f32 v4, v5  }
0x16c: {  	[tilespmem:s0+$0x420] =	vst v4;
	v4 =	vld [tilespmem:s0+$0x430]  }
0x16d: {  	v5 =	vld [tilespmem:s12+$0x430];
	_ =	sdelay $0x4  }
0x16e: {  	v4 =	vmax.f32 v4, v5  }
0x16f: {  	[tilespmem:s0+$0x430] =	vst v4;
	v4 =	vld [tilespmem:s0+$0x440]  }
0x170: {  	v5 =	vld [tilespmem:s12+$0x440];
	_ =	sdelay $0x4  }
0x171: {  	v4 =	vmax.f32 v4, v5  }
0x172: {  	[tilespmem:s0+$0x440] =	vst v4;
	v4 =	vld [tilespmem:s0+$0x450]  }
0x173: {  	v5 =	vld [tilespmem:s12+$0x450];
	_ =	sdelay $0x4  }
0x174: {  	v4 =	vmax.f32 v4, v5  }
0x175: {  	[tilespmem:s0+$0x450] =	vst v4;
	v4 =	vld [tilespmem:s0+$0x460]  }
0x176: {  	v5 =	vld [tilespmem:s12+$0x460];
	_ =	sdelay $0x2  }
.Ltmp2:
0x177: {  	(pc) =	sbr.rel @p0 .LBB2_7-.Ltmp2, $4  }
0x178: {  	_ = 	snop  }
0x179: {  	v4 =	vmax.f32 v4, v5  }
0x17a: {  	[tilespmem:s0+$0x460] =	vst v4;
	v4 =	vld [tilespmem:s0+$0x470]  }
0x17b: {  	v5 =	vld [tilespmem:s12+$0x470]  }
0x17c: {  	s30 =	sadd.s32 $0x1, s30  }
0x17d: {  	p0 =	sne.s32 s30, s25  }
.Ltmp3:
0x17e: {  	_ = 	snop;
	(pc) =	sbr.rel @p0 .LBB2_4-.Ltmp3, $3  }
0x17f: {  	_ =	sdelay $0x1  }
0x180: {  	v4 =	vmax.f32 v4, v5  }
0x181: {  	s11 =	sadd.s32 $0x40, s11;
	s29 =	sadd.s32 $0x40, s29;
	[tilespmem:s0+$0x470] =	vst v4  }
0x182: {  	_ =	swait.ge [sflag:s17], $0x2000;
	s23 =	sadd.s32 $0x1, s23  }
0x183: {  	[sflag:s17] =	ssyncset.done $0x0;
	p0 =	sne.s32 s23, s8  }
.Ltmp4:
0x184: {  	[sflag:s17] =	ssyncadd.s32 $0xFFFFE000;
	(pc) =	sbr.rel @p0 .LBB2_1-.Ltmp4, $4  }
0x185: {  	[hbm4b:s7+s3] =	stream.linear.scatter [tilespmem:s3], [sflag:$0x3], $0x14000, $0x38;
	[tilespmem:$0x1BE80] =	vst v63  }
0x186: {  	_ =	swait.ge [sflag:s10], $0x14000  }
0x187: {  	[sflag:s10] =	ssyncset.done $0x0  }
0x188: {  	[sflag:s10] =	ssyncadd.s32 $0xFFFEC000  }
0x189: {  	_ =	sfence.sel $0x180000  }
0x18a: {  	[bflag:$0x0] =	sbarrier.arrive $0xFFFF  }
0x18b: {  	_ =	strace $0x9000004A  }
0x18c: {  	s0 =	stileid.u32;
	[bflag:$0x2] =	sbarrier.arrive $0xFFFF  }
0x18d: {  	p0 =	sne.s32 s0, $0x0;
	s0 =	rddreg [dreg:$0x2]  }
0x18e: {  	s0 =	sadd.s32 @!p0 $0x100000, s0  }
0x18f: {  	[sflag:s0] =	ssyncadd.tile.s32 @!p0 $0x1;
	_ =	shalt  }
.Lfunc_end2:
_tile_overlayer_lowered:
.L_overlay_start_2:
0x190: {  	(tag) =	ssettag $0x2  }
0x191: {  	s0 =	rddreg [dreg:$0x0];
	s2 =	stileid.u32  }
0x192: {  	s1 =	rddreg [dreg:$0x1];
	p0 =	sne.s32 s2, $0x0  }
0x193: {  	s3 =	rddreg [dreg:$0x2];
	[bflag:$0x3] =	sbarrier.arrive $0xFFFF;
	s2 =	simm.s32 @!p0 $0x1C03  }
0x194: {  	[timem:s3], [sflag:s2] =	dma.local @!p0 [hbm:s0], s1  }
0x195: {  	s0 =	simm.s32 @!p0 $0x3  }
0x196: {  	_ =	swait.ge @!p0 [sflag:s0], s1  }
0x197: {  	s1 =	ssub.s32 @!p0 $0x0, s1;
	[sflag:s0] =	ssyncset.done @!p0 $0x0  }
0x198: {  	[sflag:s0] =	ssyncadd.s32 @!p0 s1  }
0x199: {  	[bflag:$0x3] =	sbarrier.arrive $0xFFFF  }
0x19a: {  	_ =	shalt  }

</sc_bundles>
